<compile_context>
chip_gen: v7x
topology: tpu7x:2x2x1
jax: 0.10.2.dev20260603
libtpu: 0.0.44.dev20260713+nightly
codegen_flags: <defaults>
</compile_context>

<pallas_src>
import jax
import jax.numpy as jnp
from jax import lax
from jax.experimental import pallas as pl
from jax.experimental.pallas import tpu as pltpu
from jax.experimental.pallas import tpu_sc as plsc

N = 10000
DH = 128
E = 320000

NC = 2
NS = 16
NW = NC * NS

CHUNK = 128
NCH = 79
EP = NW * NCH * CHUNK
A = 10240
RPS = A // NS
TRASH = N

_mesh = plsc.VectorSubcoreMesh(
    core_axis_name="c", subcore_axis_name="s", num_cores=NC, num_subcores=NS)


def _lk(h):
    return jnp.where(h >= 0, h, 0.01 * h)



def _deg_body(dst_hbm, out_hbm, dst_v, cnt_v):
    c = lax.axis_index("c")
    s = lax.axis_index("s")
    w = s * NC + c
    pltpu.sync_copy(dst_hbm.at[w], dst_v)

    def zbody(i, carry):
        cnt_v[pl.ds(i * 16, 16)] = jnp.zeros((16,), jnp.float32)
        return carry

    lax.fori_loop(0, A // 16, zbody, 0)
    ones = jnp.ones((16,), jnp.float32)

    def body(j, carry):
        def inner(l, carry2):
            idx = dst_v[pl.ds(j * CHUNK + l * 16, 16)]
            plsc.addupdate_scatter(cnt_v, [idx], ones)
            return carry2
        return lax.fori_loop(0, CHUNK // 16, inner, carry)

    lax.fori_loop(0, NCH, body, 0)
    pltpu.sync_copy(cnt_v, out_hbm.at[c, s])


_deg_call = pl.kernel(
    _deg_body,
    out_type=jax.ShapeDtypeStruct((NC, NS, A), jnp.float32),
    mesh=_mesh,
    compiler_params=pltpu.CompilerParams(needs_layout_passes=False),
    scratch_types=[
        pltpu.VMEM((NCH * CHUNK,), jnp.int32),
        pltpu.VMEM((A,), jnp.float32),
    ],
)


def _scatter_body(g_hbm, src_hbm, dst_hbm, zeros_hbm, out_hbm,
                  src_v, dst_v, rows_v, shared, sem):
    c = lax.axis_index("c")
    s = lax.axis_index("s")
    w = s * NC + c
    pltpu.sync_copy(zeros_hbm, shared.at[pl.ds(s * RPS, RPS)])
    pltpu.sync_copy(src_hbm.at[w], src_v)
    pltpu.sync_copy(dst_hbm.at[w], dst_v)
    plsc.subcore_barrier()

    def body(j, carry):
        pltpu.async_copy(g_hbm.at[src_v.at[j]], rows_v, sem).wait()
        pltpu.sync_copy(rows_v, shared.at[dst_v.at[j]], add=True)
        return carry

    lax.fori_loop(0, NCH, body, 0)
    plsc.subcore_barrier()
    pltpu.sync_copy(shared.at[pl.ds(s * RPS, RPS)],
                    out_hbm.at[c, pl.ds(s * RPS, RPS)])


_scatter_call = pl.kernel(
    _scatter_body,
    out_type=jax.ShapeDtypeStruct((NC, A, DH), jnp.float32),
    mesh=_mesh,
    scratch_types=[
        pltpu.VMEM((NCH, CHUNK), jnp.int32),
        pltpu.VMEM((NCH, CHUNK), jnp.int32),
        pltpu.VMEM((CHUNK, DH), jnp.float32),
        pltpu.VMEM_SHARED((A, DH), jnp.float32),
        pltpu.SemaphoreType.DMA,
    ],
)



BR = 1024
NB = -(-N // BR)

_row = pl.BlockSpec((BR, DH), lambda i: (i, 0))
_mat = pl.BlockSpec((DH, DH), lambda i: (0, 0))
_vec = pl.BlockSpec((1, DH), lambda i: (0, 0))
_par = pl.BlockSpec((NC, BR, DH), lambda i: (0, i, 0))
_degblk = pl.BlockSpec((NC, NS, BR), lambda i: (0, 0, i))


def _mlp_body(x_ref, w1_ref, b1_ref, w2_ref, b2_ref, o_ref):
    h = _lk(jnp.dot(x_ref[...], w1_ref[...],
                    preferred_element_type=jnp.float32) + b1_ref[...])
    o_ref[...] = _lk(jnp.dot(h, w2_ref[...],
                             preferred_element_type=jnp.float32) + b2_ref[...])


_mlp_call = pl.pallas_call(
    _mlp_body, grid=(NB,),
    in_specs=[_row, _mat, _vec, _mat, _vec],
    out_specs=_row,
    out_shape=jax.ShapeDtypeStruct((N, DH), jnp.float32),
)


def _scale_body(degp_ref, h1_ref, wc_ref, g_ref, dinv_ref):
    deg = 1.0 + jnp.sum(degp_ref[...], axis=(0, 1))
    dinv = lax.rsqrt(deg)[:, None]
    hw = jnp.dot(h1_ref[...], wc_ref[...], preferred_element_type=jnp.float32)
    g_ref[...] = hw * dinv
    dinv_ref[...] = jnp.broadcast_to(dinv, (BR, DH))


_scale_call = pl.pallas_call(
    _scale_body, grid=(NB,),
    in_specs=[_degblk, _row, _mat],
    out_specs=[_row, _row],
    out_shape=[jax.ShapeDtypeStruct((N, DH), jnp.float32),
               jax.ShapeDtypeStruct((N, DH), jnp.float32)],
)


def _post_body(sp_ref, g_ref, dinv_ref, b_ref, w_ref, h_ref, gn_ref):
    ssum = sp_ref[0] + sp_ref[1]
    h = _lk(dinv_ref[...] * (ssum + g_ref[...]) + b_ref[...])
    h_ref[...] = h
    gn_ref[...] = jnp.dot(h, w_ref[...],
                          preferred_element_type=jnp.float32) * dinv_ref[...]


_post_call = pl.pallas_call(
    _post_body, grid=(NB,),
    in_specs=[_par, _row, _row, _vec, _mat],
    out_specs=[_row, _row],
    out_shape=[jax.ShapeDtypeStruct((N, DH), jnp.float32),
               jax.ShapeDtypeStruct((N, DH), jnp.float32)],
)


def _final_body(sp_ref, g_ref, dinv_ref, b_ref, wp_ref, bp_ref, h_ref, o_ref):
    ssum = sp_ref[0] + sp_ref[1]
    h = _lk(dinv_ref[...] * (ssum + g_ref[...]) + b_ref[...])
    h_ref[...] = h
    o_ref[...] = jnp.dot(h, wp_ref[...],
                         preferred_element_type=jnp.float32) + bp_ref[...]


_final_call = pl.pallas_call(
    _final_body, grid=(NB,),
    in_specs=[_par, _row, _row, _vec, _mat, _vec],
    out_specs=[_row, _row],
    out_shape=[jax.ShapeDtypeStruct((N, DH), jnp.float32),
               jax.ShapeDtypeStruct((N, DH), jnp.float32)],
)



@jax.jit
def kernel(x, edge_index, W1, b1, W2, b2, Wc1, bc1, Wc2, bc2, Wp, bp):
    src = edge_index[0]
    dst = edge_index[1]
    padn = EP - E
    pad_src = jnp.zeros((padn,), jnp.int32)
    pad_dst = TRASH + (jnp.arange(padn, dtype=jnp.int32) % (A - N))
    src_p = jnp.concatenate([src, pad_src]).reshape(NW, NCH, CHUNK)
    dst_p = jnp.concatenate([dst, pad_dst]).reshape(NW, NCH, CHUNK)

    zeros128 = jnp.zeros((RPS, DH), jnp.float32)

    b1r = b1.reshape(1, DH)
    b2r = b2.reshape(1, DH)
    bc1r = bc1.reshape(1, DH)
    bc2r = bc2.reshape(1, DH)
    wp_pad = jnp.zeros((DH, DH), jnp.float32).at[:, 0].set(Wp[:, 0])
    bp_pad = jnp.zeros((1, DH), jnp.float32) + bp[0]

    degp = _deg_call(dst_p.reshape(NW, NCH * CHUNK))
    h1 = _mlp_call(x, W1, b1r, W2, b2r)
    g1, dinv = _scale_call(degp, h1, Wc1)
    s1 = _scatter_call(g1, src_p, dst_p, zeros128)
    h2, g2 = _post_call(s1, g1, dinv, bc1r, Wc2)
    s2 = _scatter_call(g2, src_p, dst_p, zeros128)
    h3, ocol = _final_call(s2, g2, dinv, bc2r, wp_pad, bp_pad)
    return ocol[:, 0], h2, h3

# --- scband reference (transcript-rebuilt; emitter-appended) ---
"""Pipeline reference for scband-roland-gnn-1614907703850 (READ-ONLY COPY).

The authoritative reference and input builder live on the scoring server;
editing this copy changes nothing except your own understanding.
"""

import jax, jax.numpy as jnp
import numpy as np

N = 10000
E = 320000
D = 128
H = 128


def setup_inputs(seed: int = 0) -> dict:
    key = jax.random.key(seed)
    ks = jax.random.split(key, 12)
    x = jax.random.normal(ks[0], (N, D), dtype=jnp.float32)
    edge_index = jax.random.randint(ks[1], (2, E), 0, N, dtype=jnp.int32)
    s = 0.05
    W1 = jax.random.normal(ks[2], (D, 128), dtype=jnp.float32) * s
    b1 = jnp.zeros((128,), dtype=jnp.float32)
    W2 = jax.random.normal(ks[3], (128, H), dtype=jnp.float32) * s
    b2 = jnp.zeros((H,), dtype=jnp.float32)
    Wc1 = jax.random.normal(ks[4], (H, H), dtype=jnp.float32) * s
    bc1 = jnp.zeros((H,), dtype=jnp.float32)
    Wc2 = jax.random.normal(ks[5], (H, H), dtype=jnp.float32) * s
    bc2 = jnp.zeros((H,), dtype=jnp.float32)
    Wp = jax.random.normal(ks[6], (H, 1), dtype=jnp.float32) * s
    bp = jnp.zeros((1,), dtype=jnp.float32)
    return {"x": x, "edge_index": edge_index, "W1": W1, "b1": b1, "W2": W2, "b2": b2,
            "Wc1": Wc1, "bc1": bc1, "Wc2": Wc2, "bc2": bc2, "Wp": Wp, "bp": bp}


def _leaky(h):
    return jnp.where(h >= 0, h, 0.01 * h)


def _gcn_conv(h, edge_index, W, b):
    # GCNConv with add_self_loops=True and symmetric normalization
    loop = jnp.arange(N, dtype=edge_index.dtype)
    src = jnp.concatenate([edge_index[0], loop])
    dst = jnp.concatenate([edge_index[1], loop])
    ones = jnp.ones(src.shape[0], dtype=h.dtype)
    deg = jax.ops.segment_sum(ones, dst, num_segments=N)
    deg_inv_sqrt = jnp.where(deg > 0, deg ** -0.5, 0.0)
    norm = deg_inv_sqrt[src] * deg_inv_sqrt[dst]
    hw = h @ W
    msgs = hw[src] * norm[:, None]
    out = jax.ops.segment_sum(msgs, dst, num_segments=N)
    return out + b


def reference(x, edge_index, W1, b1, W2, b2, Wc1, bc1, Wc2, bc2, Wp, bp):
    # preprocess
    h = _leaky(x @ W1 + b1)
    # dropout p=0.0 -> identity
    h = _leaky(h @ W2 + b2)
    embs = []
    for (W, b) in ((Wc1, bc1), (Wc2, bc2)):
        h = _gcn_conv(h, edge_index, W, b)
        h = _leaky(h)
        # update == 'moving' with tau = 0: h = 0 * prev + 1 * h = h
        h = 0.0 * jnp.zeros((1, 1), dtype=h.dtype) + 1.0 * h
        embs.append(h)
    out = (h @ Wp + bp).reshape(-1)
    return (out, embs[0], embs[1])

if __name__ == "__main__":
    import jax
    _d = setup_inputs()
    print(jax.jit(kernel)(*tuple(_d.values())))

</pallas_src>

<mosaic_0001>
#map = affine_map<(d0, d1) -> (0, 0)>
#map1 = affine_map<(d0, d1) -> (0, 0, 0)>
module attributes {stable_mosaic.version = 14 : i64} {
  func.func @_scatter_body(%arg0: i32, %arg1: i32, %arg2: memref<10000x128xf32, #tpu.memory_space<hbm>>, %arg3: memref<32x79x128xi32, #tpu.memory_space<hbm>>, %arg4: memref<32x79x128xi32, #tpu.memory_space<hbm>>, %arg5: memref<640x128xf32, #tpu.memory_space<hbm>>, %arg6: memref<2x10240x128xf32, #tpu.memory_space<hbm>>, %arg7: memref<79x128xi32, #tpu.memory_space<vmem>>, %arg8: memref<79x128xi32, #tpu.memory_space<vmem>>, %arg9: memref<128x128xf32, #tpu.memory_space<vmem>>, %arg10: memref<10240x128xf32, #tpu.memory_space<vmem_shared>>, %arg11: memref<!tpu.dma_semaphore, #tpu.memory_space<semaphore_mem>>) attributes {dimension_semantics = [#tpu.dimension_semantics<core_parallel>, #tpu.dimension_semantics<subcore_parallel>], iteration_bounds = array<i64: 2, 16>, scalar_prefetch = 0 : i64, scratch_operands = 5 : i64, tpu.core_type = #tpu.core_type<sc_vector_subcore>, window_params = [{transform_indices = #map}, {transform_indices = #map1}, {transform_indices = #map1}, {transform_indices = #map}, {transform_indices = #map1}]} {
    %mul3A = arith.constant 2 : i32
    %mul3A_0 = arith.muli %arg1, %mul3A : i32
    %add3A = arith.addi %mul3A_0, %arg0 : i32
    %mul3A_1 = arith.constant 640 : i32
    %mul3A_2 = arith.muli %arg1, %mul3A_1 : i32
    "tpu.region"() ({
      %run_scoped3A = tpu.sem_alloc : memref<!tpu.dma_semaphore, #tpu.memory_space<semaphore_mem>>
      %dma_start3A = arith.constant 0 : i32
      %dma_start3A_13 = tpu.memref_slice %arg10[%mul3A_2, %dma_start3A] : memref<10240x128xf32, #tpu.memory_space<vmem_shared>> -> memref<640x128xf32, #tpu.memory_space<vmem_shared>>
      tpu.enqueue_dma source(%arg5 : memref<640x128xf32, #tpu.memory_space<hbm>>) target(%dma_start3A_13 : memref<640x128xf32, #tpu.memory_space<vmem_shared>>) target_semaphore(%run_scoped3A : memref<!tpu.dma_semaphore, #tpu.memory_space<semaphore_mem>>)
      %dma_wait3A = arith.constant 0 : i32
      %dma_wait3A_14 = tpu.memref_slice %arg10[%mul3A_2, %dma_wait3A] : memref<10240x128xf32, #tpu.memory_space<vmem_shared>> -> memref<640x128xf32, #tpu.memory_space<vmem_shared>>
      tpu.wait_dma2 semaphore(%run_scoped3A : memref<!tpu.dma_semaphore, #tpu.memory_space<semaphore_mem>>) src(%arg5 : memref<640x128xf32, #tpu.memory_space<hbm>>) dst(%dma_wait3A_14 : memref<640x128xf32, #tpu.memory_space<vmem_shared>>)
      tpu.yield
    }) : () -> ()
    "tpu.region"() ({
      %run_scoped3A = tpu.sem_alloc : memref<!tpu.dma_semaphore, #tpu.memory_space<semaphore_mem>>
      %dma_start3A = arith.constant 0 : i32
      %dma_start3A_13 = arith.constant 0 : i32
      %dma_start3A_14 = tpu.memref_slice %arg3[%add3A, %dma_start3A, %dma_start3A_13] : memref<32x79x128xi32, #tpu.memory_space<hbm>> -> memref<1x79x128xi32, #tpu.memory_space<hbm>>
      %dma_start3A_15 = tpu.memref_squeeze %dma_start3A_14 : memref<1x79x128xi32, #tpu.memory_space<hbm>> -> memref<79x128xi32, #tpu.memory_space<hbm>>
      %dma_start3A_16 = arith.constant 0 : i32
      %dma_start3A_17 = arith.constant 0 : i32
      %dma_start3A_18 = tpu.memref_slice %arg3[%add3A, %dma_start3A_16, %dma_start3A_17] : memref<32x79x128xi32, #tpu.memory_space<hbm>> -> memref<1x79x128xi32, #tpu.memory_space<hbm>>
      %dma_start3A_19 = tpu.memref_squeeze %dma_start3A_18 : memref<1x79x128xi32, #tpu.memory_space<hbm>> -> memref<79x128xi32, #tpu.memory_space<hbm>>
      tpu.enqueue_dma source(%dma_start3A_19 : memref<79x128xi32, #tpu.memory_space<hbm>>) target(%arg7 : memref<79x128xi32, #tpu.memory_space<vmem>>) target_semaphore(%run_scoped3A : memref<!tpu.dma_semaphore, #tpu.memory_space<semaphore_mem>>)
      %dma_wait3A = arith.constant 0 : i32
      %dma_wait3A_20 = arith.constant 0 : i32
      %dma_wait3A_21 = tpu.memref_slice %arg3[%add3A, %dma_wait3A, %dma_wait3A_20] : memref<32x79x128xi32, #tpu.memory_space<hbm>> -> memref<1x79x128xi32, #tpu.memory_space<hbm>>
      %dma_wait3A_22 = tpu.memref_squeeze %dma_wait3A_21 : memref<1x79x128xi32, #tpu.memory_space<hbm>> -> memref<79x128xi32, #tpu.memory_space<hbm>>
      %dma_wait3A_23 = arith.constant 0 : i32
      %dma_wait3A_24 = arith.constant 0 : i32
      %dma_wait3A_25 = tpu.memref_slice %arg3[%add3A, %dma_wait3A_23, %dma_wait3A_24] : memref<32x79x128xi32, #tpu.memory_space<hbm>> -> memref<1x79x128xi32, #tpu.memory_space<hbm>>
      %dma_wait3A_26 = tpu.memref_squeeze %dma_wait3A_25 : memref<1x79x128xi32, #tpu.memory_space<hbm>> -> memref<79x128xi32, #tpu.memory_space<hbm>>
      tpu.wait_dma2 semaphore(%run_scoped3A : memref<!tpu.dma_semaphore, #tpu.memory_space<semaphore_mem>>) src(%dma_wait3A_26 : memref<79x128xi32, #tpu.memory_space<hbm>>) dst(%arg7 : memref<79x128xi32, #tpu.memory_space<vmem>>)
      tpu.yield
    }) : () -> ()
    "tpu.region"() ({
      %run_scoped3A = tpu.sem_alloc : memref<!tpu.dma_semaphore, #tpu.memory_space<semaphore_mem>>
      %dma_start3A = arith.constant 0 : i32
      %dma_start3A_13 = arith.constant 0 : i32
      %dma_start3A_14 = tpu.memref_slice %arg4[%add3A, %dma_start3A, %dma_start3A_13] : memref<32x79x128xi32, #tpu.memory_space<hbm>> -> memref<1x79x128xi32, #tpu.memory_space<hbm>>
      %dma_start3A_15 = tpu.memref_squeeze %dma_start3A_14 : memref<1x79x128xi32, #tpu.memory_space<hbm>> -> memref<79x128xi32, #tpu.memory_space<hbm>>
      %dma_start3A_16 = arith.constant 0 : i32
      %dma_start3A_17 = arith.constant 0 : i32
      %dma_start3A_18 = tpu.memref_slice %arg4[%add3A, %dma_start3A_16, %dma_start3A_17] : memref<32x79x128xi32, #tpu.memory_space<hbm>> -> memref<1x79x128xi32, #tpu.memory_space<hbm>>
      %dma_start3A_19 = tpu.memref_squeeze %dma_start3A_18 : memref<1x79x128xi32, #tpu.memory_space<hbm>> -> memref<79x128xi32, #tpu.memory_space<hbm>>
      tpu.enqueue_dma source(%dma_start3A_19 : memref<79x128xi32, #tpu.memory_space<hbm>>) target(%arg8 : memref<79x128xi32, #tpu.memory_space<vmem>>) target_semaphore(%run_scoped3A : memref<!tpu.dma_semaphore, #tpu.memory_space<semaphore_mem>>)
      %dma_wait3A = arith.constant 0 : i32
      %dma_wait3A_20 = arith.constant 0 : i32
      %dma_wait3A_21 = tpu.memref_slice %arg4[%add3A, %dma_wait3A, %dma_wait3A_20] : memref<32x79x128xi32, #tpu.memory_space<hbm>> -> memref<1x79x128xi32, #tpu.memory_space<hbm>>
      %dma_wait3A_22 = tpu.memref_squeeze %dma_wait3A_21 : memref<1x79x128xi32, #tpu.memory_space<hbm>> -> memref<79x128xi32, #tpu.memory_space<hbm>>
      %dma_wait3A_23 = arith.constant 0 : i32
      %dma_wait3A_24 = arith.constant 0 : i32
      %dma_wait3A_25 = tpu.memref_slice %arg4[%add3A, %dma_wait3A_23, %dma_wait3A_24] : memref<32x79x128xi32, #tpu.memory_space<hbm>> -> memref<1x79x128xi32, #tpu.memory_space<hbm>>
      %dma_wait3A_26 = tpu.memref_squeeze %dma_wait3A_25 : memref<1x79x128xi32, #tpu.memory_space<hbm>> -> memref<79x128xi32, #tpu.memory_space<hbm>>
      tpu.wait_dma2 semaphore(%run_scoped3A : memref<!tpu.dma_semaphore, #tpu.memory_space<semaphore_mem>>) src(%dma_wait3A_26 : memref<79x128xi32, #tpu.memory_space<hbm>>) dst(%arg8 : memref<79x128xi32, #tpu.memory_space<vmem>>)
      tpu.yield
    }) : () -> ()
    %barrier3A = arith.constant 0 : index
    tpu.barrier barrier_id(%barrier3A)
    %scan3A = arith.constant 0 : i32
    %scan3A_3 = arith.constant 0 : i32
    %scan3A_4 = arith.constant 79 : i32
    %scan3A_5 = arith.addi %scan3A_3, %scan3A_4 : i32
    %scan3A_6 = arith.constant 1 : i32
    scf.for %scan3A_13 = %scan3A_3 to %scan3A_5 step %scan3A_6  : i32 {
      %dma_start3A = arith.constant 0 : i32
      %dma_start3A_14 = tpu.memref_slice %arg7[%scan3A_13, %dma_start3A] : memref<79x128xi32, #tpu.memory_space<vmem>> -> memref<1x128xi32, #tpu.memory_space<vmem>>
      %dma_start3A_15 = tpu.memref_squeeze %dma_start3A_14 : memref<1x128xi32, #tpu.memory_space<vmem>> -> memref<128xi32, #tpu.memory_space<vmem>>
      %dma_start3A_16 = arith.constant 0 : i32
      %dma_start3A_17 = arith.constant 0 : i32
      %dma_start3A_18 = tpu.memref_slice %arg2[%dma_start3A_16, %dma_start3A_17] : memref<10000x128xf32, #tpu.memory_space<hbm>> -> memref<10000x128xf32, #tpu.memory_space<hbm>>
      tpu.enqueue_indirect_dma source(%dma_start3A_18 : memref<10000x128xf32, #tpu.memory_space<hbm>>) target(%arg9 : memref<128x128xf32, #tpu.memory_space<vmem>>) offsets(%dma_start3A_15 : memref<128xi32, #tpu.memory_space<vmem>>) semaphore(%arg11 : memref<!tpu.dma_semaphore, #tpu.memory_space<semaphore_mem>>)
      %dma_wait3A = arith.constant 0 : i32
      %dma_wait3A_19 = tpu.memref_slice %arg7[%scan3A_13, %dma_wait3A] : memref<79x128xi32, #tpu.memory_space<vmem>> -> memref<1x128xi32, #tpu.memory_space<vmem>>
      %dma_wait3A_20 = tpu.memref_squeeze %dma_wait3A_19 : memref<1x128xi32, #tpu.memory_space<vmem>> -> memref<128xi32, #tpu.memory_space<vmem>>
      %dma_wait3A_21 = arith.constant 0 : i32
      %dma_wait3A_22 = arith.constant 0 : i32
      %dma_wait3A_23 = tpu.memref_slice %arg2[%dma_wait3A_21, %dma_wait3A_22] : memref<10000x128xf32, #tpu.memory_space<hbm>> -> memref<10000x128xf32, #tpu.memory_space<hbm>>
      tpu.wait_indirect_dma semaphore(%arg11 : memref<!tpu.dma_semaphore, #tpu.memory_space<semaphore_mem>>) src(%dma_wait3A_23 : memref<10000x128xf32, #tpu.memory_space<hbm>>) dst(%arg9 : memref<128x128xf32, #tpu.memory_space<vmem>>)
      "tpu.region"() ({
        %run_scoped3A = tpu.sem_alloc : memref<!tpu.dma_semaphore, #tpu.memory_space<semaphore_mem>>
        %dma_start3A_24 = arith.constant 0 : i32
        %dma_start3A_25 = tpu.memref_slice %arg8[%scan3A_13, %dma_start3A_24] : memref<79x128xi32, #tpu.memory_space<vmem>> -> memref<1x128xi32, #tpu.memory_space<vmem>>
        %dma_start3A_26 = tpu.memref_squeeze %dma_start3A_25 : memref<1x128xi32, #tpu.memory_space<vmem>> -> memref<128xi32, #tpu.memory_space<vmem>>
        %dma_start3A_27 = arith.constant 0 : i32
        %dma_start3A_28 = arith.constant 0 : i32
        %dma_start3A_29 = tpu.memref_slice %arg10[%dma_start3A_27, %dma_start3A_28] : memref<10240x128xf32, #tpu.memory_space<vmem_shared>> -> memref<10240x128xf32, #tpu.memory_space<vmem_shared>>
        tpu.enqueue_indirect_dma source(%arg9 : memref<128x128xf32, #tpu.memory_space<vmem>>) target(%dma_start3A_29 : memref<10240x128xf32, #tpu.memory_space<vmem_shared>>) offsets(%dma_start3A_26 : memref<128xi32, #tpu.memory_space<vmem>>) semaphore(%run_scoped3A : memref<!tpu.dma_semaphore, #tpu.memory_space<semaphore_mem>>) {add = true}
        %dma_wait3A_30 = arith.constant 0 : i32
        %dma_wait3A_31 = tpu.memref_slice %arg8[%scan3A_13, %dma_wait3A_30] : memref<79x128xi32, #tpu.memory_space<vmem>> -> memref<1x128xi32, #tpu.memory_space<vmem>>
        %dma_wait3A_32 = tpu.memref_squeeze %dma_wait3A_31 : memref<1x128xi32, #tpu.memory_space<vmem>> -> memref<128xi32, #tpu.memory_space<vmem>>
        %dma_wait3A_33 = arith.constant 0 : i32
        %dma_wait3A_34 = arith.constant 0 : i32
        %dma_wait3A_35 = tpu.memref_slice %arg10[%dma_wait3A_33, %dma_wait3A_34] : memref<10240x128xf32, #tpu.memory_space<vmem_shared>> -> memref<10240x128xf32, #tpu.memory_space<vmem_shared>>
        tpu.wait_indirect_dma semaphore(%run_scoped3A : memref<!tpu.dma_semaphore, #tpu.memory_space<semaphore_mem>>) src(%arg9 : memref<128x128xf32, #tpu.memory_space<vmem>>) dst(%dma_wait3A_35 : memref<10240x128xf32, #tpu.memory_space<vmem_shared>>)
        tpu.yield
      }) : () -> ()
    }
    %scan3A_7 = arith.constant 79 : i32
    %barrier3A_8 = arith.constant 0 : index
    tpu.barrier barrier_id(%barrier3A_8)
    %mul3A_9 = arith.constant 640 : i32
    %mul3A_10 = arith.muli %arg1, %mul3A_9 : i32
    %mul3A_11 = arith.constant 640 : i32
    %mul3A_12 = arith.muli %arg1, %mul3A_11 : i32
    "tpu.region"() ({
      %run_scoped3A = tpu.sem_alloc : memref<!tpu.dma_semaphore, #tpu.memory_space<semaphore_mem>>
      %dma_start3A = arith.constant 0 : i32
      %dma_start3A_13 = tpu.memref_slice %arg6[%arg0, %mul3A_12, %dma_start3A] : memref<2x10240x128xf32, #tpu.memory_space<hbm>> -> memref<1x640x128xf32, #tpu.memory_space<hbm>>
      %dma_start3A_14 = tpu.memref_squeeze %dma_start3A_13 : memref<1x640x128xf32, #tpu.memory_space<hbm>> -> memref<640x128xf32, #tpu.memory_space<hbm>>
      %dma_start3A_15 = arith.constant 0 : i32
      %dma_start3A_16 = tpu.memref_slice %arg10[%mul3A_10, %dma_start3A_15] : memref<10240x128xf32, #tpu.memory_space<vmem_shared>> -> memref<640x128xf32, #tpu.memory_space<vmem_shared>>
      tpu.enqueue_dma source(%dma_start3A_16 : memref<640x128xf32, #tpu.memory_space<vmem_shared>>) target(%dma_start3A_14 : memref<640x128xf32, #tpu.memory_space<hbm>>) target_semaphore(%run_scoped3A : memref<!tpu.dma_semaphore, #tpu.memory_space<semaphore_mem>>)
      %dma_wait3A = arith.constant 0 : i32
      %dma_wait3A_17 = tpu.memref_slice %arg6[%arg0, %mul3A_12, %dma_wait3A] : memref<2x10240x128xf32, #tpu.memory_space<hbm>> -> memref<1x640x128xf32, #tpu.memory_space<hbm>>
      %dma_wait3A_18 = tpu.memref_squeeze %dma_wait3A_17 : memref<1x640x128xf32, #tpu.memory_space<hbm>> -> memref<640x128xf32, #tpu.memory_space<hbm>>
      %dma_wait3A_19 = arith.constant 0 : i32
      %dma_wait3A_20 = tpu.memref_slice %arg10[%mul3A_10, %dma_wait3A_19] : memref<10240x128xf32, #tpu.memory_space<vmem_shared>> -> memref<640x128xf32, #tpu.memory_space<vmem_shared>>
      tpu.wait_dma2 semaphore(%run_scoped3A : memref<!tpu.dma_semaphore, #tpu.memory_space<semaphore_mem>>) src(%dma_wait3A_20 : memref<640x128xf32, #tpu.memory_space<vmem_shared>>) dst(%dma_wait3A_18 : memref<640x128xf32, #tpu.memory_space<hbm>>)
      tpu.yield
    }) : () -> ()
    return
  }
}

#map = affine_map<(d0, d1) -> (0, 0)>
#map1 = affine_map<(d0, d1) -> (0, 0, 0)>
module attributes {stable_mosaic.version = 14 : i64} {
  func.func @_scatter_body(%arg0: i32, %arg1: i32, %arg2: memref<10000x128xf32, #tpu.memory_space<hbm>>, %arg3: memref<32x79x128xi32, #tpu.memory_space<hbm>>, %arg4: memref<32x79x128xi32, #tpu.memory_space<hbm>>, %arg5: memref<640x128xf32, #tpu.memory_space<hbm>>, %arg6: memref<2x10240x128xf32, #tpu.memory_space<hbm>>, %arg7: memref<79x128xi32, #tpu.memory_space<vmem>>, %arg8: memref<79x128xi32, #tpu.memory_space<vmem>>, %arg9: memref<128x128xf32, #tpu.memory_space<vmem>>, %arg10: memref<10240x128xf32, #tpu.memory_space<vmem_shared>>, %arg11: memref<!tpu.dma_semaphore, #tpu.memory_space<semaphore_mem>>) attributes {dimension_semantics = [#tpu.dimension_semantics<core_parallel>, #tpu.dimension_semantics<subcore_parallel>], iteration_bounds = array<i64: 2, 16>, scalar_prefetch = 0 : i64, scratch_operands = 5 : i64, tpu.core_type = #tpu.core_type<sc_vector_subcore>, window_params = [{transform_indices = #map}, {transform_indices = #map1}, {transform_indices = #map1}, {transform_indices = #map}, {transform_indices = #map1}]} {
    %mul3A = arith.constant 2 : i32
    %mul3A_0 = arith.muli %arg1, %mul3A : i32
    %add3A = arith.addi %mul3A_0, %arg0 : i32
    %mul3A_1 = arith.constant 640 : i32
    %mul3A_2 = arith.muli %arg1, %mul3A_1 : i32
    "tpu.region"() ({
      %run_scoped3A = tpu.sem_alloc : memref<!tpu.dma_semaphore, #tpu.memory_space<semaphore_mem>>
      %dma_start3A = arith.constant 0 : i32
      %dma_start3A_13 = tpu.memref_slice %arg10[%mul3A_2, %dma_start3A] : memref<10240x128xf32, #tpu.memory_space<vmem_shared>> -> memref<640x128xf32, #tpu.memory_space<vmem_shared>>
      tpu.enqueue_dma source(%arg5 : memref<640x128xf32, #tpu.memory_space<hbm>>) target(%dma_start3A_13 : memref<640x128xf32, #tpu.memory_space<vmem_shared>>) target_semaphore(%run_scoped3A : memref<!tpu.dma_semaphore, #tpu.memory_space<semaphore_mem>>)
      %dma_wait3A = arith.constant 0 : i32
      %dma_wait3A_14 = tpu.memref_slice %arg10[%mul3A_2, %dma_wait3A] : memref<10240x128xf32, #tpu.memory_space<vmem_shared>> -> memref<640x128xf32, #tpu.memory_space<vmem_shared>>
      tpu.wait_dma2 semaphore(%run_scoped3A : memref<!tpu.dma_semaphore, #tpu.memory_space<semaphore_mem>>) src(%arg5 : memref<640x128xf32, #tpu.memory_space<hbm>>) dst(%dma_wait3A_14 : memref<640x128xf32, #tpu.memory_space<vmem_shared>>)
      tpu.yield
    }) : () -> ()
    "tpu.region"() ({
      %run_scoped3A = tpu.sem_alloc : memref<!tpu.dma_semaphore, #tpu.memory_space<semaphore_mem>>
      %dma_start3A = arith.constant 0 : i32
      %dma_start3A_13 = arith.constant 0 : i32
      %dma_start3A_14 = tpu.memref_slice %arg3[%add3A, %dma_start3A, %dma_start3A_13] : memref<32x79x128xi32, #tpu.memory_space<hbm>> -> memref<1x79x128xi32, #tpu.memory_space<hbm>>
      %dma_start3A_15 = tpu.memref_squeeze %dma_start3A_14 : memref<1x79x128xi32, #tpu.memory_space<hbm>> -> memref<79x128xi32, #tpu.memory_space<hbm>>
      %dma_start3A_16 = arith.constant 0 : i32
      %dma_start3A_17 = arith.constant 0 : i32
      %dma_start3A_18 = tpu.memref_slice %arg3[%add3A, %dma_start3A_16, %dma_start3A_17] : memref<32x79x128xi32, #tpu.memory_space<hbm>> -> memref<1x79x128xi32, #tpu.memory_space<hbm>>
      %dma_start3A_19 = tpu.memref_squeeze %dma_start3A_18 : memref<1x79x128xi32, #tpu.memory_space<hbm>> -> memref<79x128xi32, #tpu.memory_space<hbm>>
      tpu.enqueue_dma source(%dma_start3A_19 : memref<79x128xi32, #tpu.memory_space<hbm>>) target(%arg7 : memref<79x128xi32, #tpu.memory_space<vmem>>) target_semaphore(%run_scoped3A : memref<!tpu.dma_semaphore, #tpu.memory_space<semaphore_mem>>)
      %dma_wait3A = arith.constant 0 : i32
      %dma_wait3A_20 = arith.constant 0 : i32
      %dma_wait3A_21 = tpu.memref_slice %arg3[%add3A, %dma_wait3A, %dma_wait3A_20] : memref<32x79x128xi32, #tpu.memory_space<hbm>> -> memref<1x79x128xi32, #tpu.memory_space<hbm>>
      %dma_wait3A_22 = tpu.memref_squeeze %dma_wait3A_21 : memref<1x79x128xi32, #tpu.memory_space<hbm>> -> memref<79x128xi32, #tpu.memory_space<hbm>>
      %dma_wait3A_23 = arith.constant 0 : i32
      %dma_wait3A_24 = arith.constant 0 : i32
      %dma_wait3A_25 = tpu.memref_slice %arg3[%add3A, %dma_wait3A_23, %dma_wait3A_24] : memref<32x79x128xi32, #tpu.memory_space<hbm>> -> memref<1x79x128xi32, #tpu.memory_space<hbm>>
      %dma_wait3A_26 = tpu.memref_squeeze %dma_wait3A_25 : memref<1x79x128xi32, #tpu.memory_space<hbm>> -> memref<79x128xi32, #tpu.memory_space<hbm>>
      tpu.wait_dma2 semaphore(%run_scoped3A : memref<!tpu.dma_semaphore, #tpu.memory_space<semaphore_mem>>) src(%dma_wait3A_26 : memref<79x128xi32, #tpu.memory_space<hbm>>) dst(%arg7 : memref<79x128xi32, #tpu.memory_space<vmem>>)
      tpu.yield
    }) : () -> ()
    "tpu.region"() ({
      %run_scoped3A = tpu.sem_alloc : memref<!tpu.dma_semaphore, #tpu.memory_space<semaphore_mem>>
      %dma_start3A = arith.constant 0 : i32
      %dma_start3A_13 = arith.constant 0 : i32
      %dma_start3A_14 = tpu.memref_slice %arg4[%add3A, %dma_start3A, %dma_start3A_13] : memref<32x79x128xi32, #tpu.memory_space<hbm>> -> memref<1x79x128xi32, #tpu.memory_space<hbm>>
      %dma_start3A_15 = tpu.memref_squeeze %dma_start3A_14 : memref<1x79x128xi32, #tpu.memory_space<hbm>> -> memref<79x128xi32, #tpu.memory_space<hbm>>
      %dma_start3A_16 = arith.constant 0 : i32
      %dma_start3A_17 = arith.constant 0 : i32
      %dma_start3A_18 = tpu.memref_slice %arg4[%add3A, %dma_start3A_16, %dma_start3A_17] : memref<32x79x128xi32, #tpu.memory_space<hbm>> -> memref<1x79x128xi32, #tpu.memory_space<hbm>>
      %dma_start3A_19 = tpu.memref_squeeze %dma_start3A_18 : memref<1x79x128xi32, #tpu.memory_space<hbm>> -> memref<79x128xi32, #tpu.memory_space<hbm>>
      tpu.enqueue_dma source(%dma_start3A_19 : memref<79x128xi32, #tpu.memory_space<hbm>>) target(%arg8 : memref<79x128xi32, #tpu.memory_space<vmem>>) target_semaphore(%run_scoped3A : memref<!tpu.dma_semaphore, #tpu.memory_space<semaphore_mem>>)
      %dma_wait3A = arith.constant 0 : i32
      %dma_wait3A_20 = arith.constant 0 : i32
      %dma_wait3A_21 = tpu.memref_slice %arg4[%add3A, %dma_wait3A, %dma_wait3A_20] : memref<32x79x128xi32, #tpu.memory_space<hbm>> -> memref<1x79x128xi32, #tpu.memory_space<hbm>>
      %dma_wait3A_22 = tpu.memref_squeeze %dma_wait3A_21 : memref<1x79x128xi32, #tpu.memory_space<hbm>> -> memref<79x128xi32, #tpu.memory_space<hbm>>
      %dma_wait3A_23 = arith.constant 0 : i32
      %dma_wait3A_24 = arith.constant 0 : i32
      %dma_wait3A_25 = tpu.memref_slice %arg4[%add3A, %dma_wait3A_23, %dma_wait3A_24] : memref<32x79x128xi32, #tpu.memory_space<hbm>> -> memref<1x79x128xi32, #tpu.memory_space<hbm>>
      %dma_wait3A_26 = tpu.memref_squeeze %dma_wait3A_25 : memref<1x79x128xi32, #tpu.memory_space<hbm>> -> memref<79x128xi32, #tpu.memory_space<hbm>>
      tpu.wait_dma2 semaphore(%run_scoped3A : memref<!tpu.dma_semaphore, #tpu.memory_space<semaphore_mem>>) src(%dma_wait3A_26 : memref<79x128xi32, #tpu.memory_space<hbm>>) dst(%arg8 : memref<79x128xi32, #tpu.memory_space<vmem>>)
      tpu.yield
    }) : () -> ()
    %barrier3A = arith.constant 0 : index
    tpu.barrier barrier_id(%barrier3A)
    %scan3A = arith.constant 0 : i32
    %scan3A_3 = arith.constant 0 : i32
    %scan3A_4 = arith.constant 79 : i32
    %scan3A_5 = arith.addi %scan3A_3, %scan3A_4 : i32
    %scan3A_6 = arith.constant 1 : i32
    scf.for %scan3A_13 = %scan3A_3 to %scan3A_5 step %scan3A_6  : i32 {
      %dma_start3A = arith.constant 0 : i32
      %dma_start3A_14 = tpu.memref_slice %arg7[%scan3A_13, %dma_start3A] : memref<79x128xi32, #tpu.memory_space<vmem>> -> memref<1x128xi32, #tpu.memory_space<vmem>>
      %dma_start3A_15 = tpu.memref_squeeze %dma_start3A_14 : memref<1x128xi32, #tpu.memory_space<vmem>> -> memref<128xi32, #tpu.memory_space<vmem>>
      %dma_start3A_16 = arith.constant 0 : i32
      %dma_start3A_17 = arith.constant 0 : i32
      %dma_start3A_18 = tpu.memref_slice %arg2[%dma_start3A_16, %dma_start3A_17] : memref<10000x128xf32, #tpu.memory_space<hbm>> -> memref<10000x128xf32, #tpu.memory_space<hbm>>
      tpu.enqueue_indirect_dma source(%dma_start3A_18 : memref<10000x128xf32, #tpu.memory_space<hbm>>) target(%arg9 : memref<128x128xf32, #tpu.memory_space<vmem>>) offsets(%dma_start3A_15 : memref<128xi32, #tpu.memory_space<vmem>>) semaphore(%arg11 : memref<!tpu.dma_semaphore, #tpu.memory_space<semaphore_mem>>)
      %dma_wait3A = arith.constant 0 : i32
      %dma_wait3A_19 = tpu.memref_slice %arg7[%scan3A_13, %dma_wait3A] : memref<79x128xi32, #tpu.memory_space<vmem>> -> memref<1x128xi32, #tpu.memory_space<vmem>>
      %dma_wait3A_20 = tpu.memref_squeeze %dma_wait3A_19 : memref<1x128xi32, #tpu.memory_space<vmem>> -> memref<128xi32, #tpu.memory_space<vmem>>
      %dma_wait3A_21 = arith.constant 0 : i32
      %dma_wait3A_22 = arith.constant 0 : i32
      %dma_wait3A_23 = tpu.memref_slice %arg2[%dma_wait3A_21, %dma_wait3A_22] : memref<10000x128xf32, #tpu.memory_space<hbm>> -> memref<10000x128xf32, #tpu.memory_space<hbm>>
      tpu.wait_indirect_dma semaphore(%arg11 : memref<!tpu.dma_semaphore, #tpu.memory_space<semaphore_mem>>) src(%dma_wait3A_23 : memref<10000x128xf32, #tpu.memory_space<hbm>>) dst(%arg9 : memref<128x128xf32, #tpu.memory_space<vmem>>)
      "tpu.region"() ({
        %run_scoped3A = tpu.sem_alloc : memref<!tpu.dma_semaphore, #tpu.memory_space<semaphore_mem>>
        %dma_start3A_24 = arith.constant 0 : i32
        %dma_start3A_25 = tpu.memref_slice %arg8[%scan3A_13, %dma_start3A_24] : memref<79x128xi32, #tpu.memory_space<vmem>> -> memref<1x128xi32, #tpu.memory_space<vmem>>
        %dma_start3A_26 = tpu.memref_squeeze %dma_start3A_25 : memref<1x128xi32, #tpu.memory_space<vmem>> -> memref<128xi32, #tpu.memory_space<vmem>>
        %dma_start3A_27 = arith.constant 0 : i32
        %dma_start3A_28 = arith.constant 0 : i32
        %dma_start3A_29 = tpu.memref_slice %arg10[%dma_start3A_27, %dma_start3A_28] : memref<10240x128xf32, #tpu.memory_space<vmem_shared>> -> memref<10240x128xf32, #tpu.memory_space<vmem_shared>>
        tpu.enqueue_indirect_dma source(%arg9 : memref<128x128xf32, #tpu.memory_space<vmem>>) target(%dma_start3A_29 : memref<10240x128xf32, #tpu.memory_space<vmem_shared>>) offsets(%dma_start3A_26 : memref<128xi32, #tpu.memory_space<vmem>>) semaphore(%run_scoped3A : memref<!tpu.dma_semaphore, #tpu.memory_space<semaphore_mem>>) {add = true}
        %dma_wait3A_30 = arith.constant 0 : i32
        %dma_wait3A_31 = tpu.memref_slice %arg8[%scan3A_13, %dma_wait3A_30] : memref<79x128xi32, #tpu.memory_space<vmem>> -> memref<1x128xi32, #tpu.memory_space<vmem>>
        %dma_wait3A_32 = tpu.memref_squeeze %dma_wait3A_31 : memref<1x128xi32, #tpu.memory_space<vmem>> -> memref<128xi32, #tpu.memory_space<vmem>>
        %dma_wait3A_33 = arith.constant 0 : i32
        %dma_wait3A_34 = arith.constant 0 : i32
        %dma_wait3A_35 = tpu.memref_slice %arg10[%dma_wait3A_33, %dma_wait3A_34] : memref<10240x128xf32, #tpu.memory_space<vmem_shared>> -> memref<10240x128xf32, #tpu.memory_space<vmem_shared>>
        tpu.wait_indirect_dma semaphore(%run_scoped3A : memref<!tpu.dma_semaphore, #tpu.memory_space<semaphore_mem>>) src(%arg9 : memref<128x128xf32, #tpu.memory_space<vmem>>) dst(%dma_wait3A_35 : memref<10240x128xf32, #tpu.memory_space<vmem_shared>>)
        tpu.yield
      }) : () -> ()
    }
    %scan3A_7 = arith.constant 79 : i32
    %barrier3A_8 = arith.constant 0 : index
    tpu.barrier barrier_id(%barrier3A_8)
    %mul3A_9 = arith.constant 640 : i32
    %mul3A_10 = arith.muli %arg1, %mul3A_9 : i32
    %mul3A_11 = arith.constant 640 : i32
    %mul3A_12 = arith.muli %arg1, %mul3A_11 : i32
    "tpu.region"() ({
      %run_scoped3A = tpu.sem_alloc : memref<!tpu.dma_semaphore, #tpu.memory_space<semaphore_mem>>
      %dma_start3A = arith.constant 0 : i32
      %dma_start3A_13 = tpu.memref_slice %arg6[%arg0, %mul3A_12, %dma_start3A] : memref<2x10240x128xf32, #tpu.memory_space<hbm>> -> memref<1x640x128xf32, #tpu.memory_space<hbm>>
      %dma_start3A_14 = tpu.memref_squeeze %dma_start3A_13 : memref<1x640x128xf32, #tpu.memory_space<hbm>> -> memref<640x128xf32, #tpu.memory_space<hbm>>
      %dma_start3A_15 = arith.constant 0 : i32
      %dma_start3A_16 = tpu.memref_slice %arg10[%mul3A_10, %dma_start3A_15] : memref<10240x128xf32, #tpu.memory_space<vmem_shared>> -> memref<640x128xf32, #tpu.memory_space<vmem_shared>>
      tpu.enqueue_dma source(%dma_start3A_16 : memref<640x128xf32, #tpu.memory_space<vmem_shared>>) target(%dma_start3A_14 : memref<640x128xf32, #tpu.memory_space<hbm>>) target_semaphore(%run_scoped3A : memref<!tpu.dma_semaphore, #tpu.memory_space<semaphore_mem>>)
      %dma_wait3A = arith.constant 0 : i32
      %dma_wait3A_17 = tpu.memref_slice %arg6[%arg0, %mul3A_12, %dma_wait3A] : memref<2x10240x128xf32, #tpu.memory_space<hbm>> -> memref<1x640x128xf32, #tpu.memory_space<hbm>>
      %dma_wait3A_18 = tpu.memref_squeeze %dma_wait3A_17 : memref<1x640x128xf32, #tpu.memory_space<hbm>> -> memref<640x128xf32, #tpu.memory_space<hbm>>
      %dma_wait3A_19 = arith.constant 0 : i32
      %dma_wait3A_20 = tpu.memref_slice %arg10[%mul3A_10, %dma_wait3A_19] : memref<10240x128xf32, #tpu.memory_space<vmem_shared>> -> memref<640x128xf32, #tpu.memory_space<vmem_shared>>
      tpu.wait_dma2 semaphore(%run_scoped3A : memref<!tpu.dma_semaphore, #tpu.memory_space<semaphore_mem>>) src(%dma_wait3A_20 : memref<640x128xf32, #tpu.memory_space<vmem_shared>>) dst(%dma_wait3A_18 : memref<640x128xf32, #tpu.memory_space<hbm>>)
      tpu.yield
    }) : () -> ()
    return
  }
}

#map = affine_map<(d0, d1) -> (0, 0)>
#map1 = affine_map<(d0, d1) -> (0, 0, 0)>
module attributes {stable_mosaic.version = 14 : i64} {
  func.func @_deg_body(%arg0: i32, %arg1: i32, %arg2: memref<32x10112xi32, #tpu.memory_space<hbm>>, %arg3: memref<2x16x10240xf32, #tpu.memory_space<hbm>>, %arg4: memref<10112xi32, #tpu.memory_space<vmem>>, %arg5: memref<10240xf32, #tpu.memory_space<vmem>>) attributes {dimension_semantics = [#tpu.dimension_semantics<core_parallel>, #tpu.dimension_semantics<subcore_parallel>], iteration_bounds = array<i64: 2, 16>, scalar_prefetch = 0 : i64, scratch_operands = 2 : i64, tpu.core_type = #tpu.core_type<sc_vector_subcore>, window_params = [{transform_indices = #map}, {transform_indices = #map1}]} {
    %mul3A = arith.constant 2 : i32
    %mul3A_0 = arith.muli %arg1, %mul3A : i32
    %add3A = arith.addi %mul3A_0, %arg0 : i32
    "tpu.region"() ({
      %run_scoped3A = tpu.sem_alloc : memref<!tpu.dma_semaphore, #tpu.memory_space<semaphore_mem>>
      %dma_start3A = arith.constant 0 : i32
      %dma_start3A_13 = tpu.memref_slice %arg2[%add3A, %dma_start3A] : memref<32x10112xi32, #tpu.memory_space<hbm>> -> memref<1x10112xi32, #tpu.memory_space<hbm>>
      %dma_start3A_14 = tpu.memref_squeeze %dma_start3A_13 : memref<1x10112xi32, #tpu.memory_space<hbm>> -> memref<10112xi32, #tpu.memory_space<hbm>>
      %dma_start3A_15 = arith.constant 0 : i32
      %dma_start3A_16 = tpu.memref_slice %arg2[%add3A, %dma_start3A_15] : memref<32x10112xi32, #tpu.memory_space<hbm>> -> memref<1x10112xi32, #tpu.memory_space<hbm>>
      %dma_start3A_17 = tpu.memref_squeeze %dma_start3A_16 : memref<1x10112xi32, #tpu.memory_space<hbm>> -> memref<10112xi32, #tpu.memory_space<hbm>>
      tpu.enqueue_dma source(%dma_start3A_17 : memref<10112xi32, #tpu.memory_space<hbm>>) target(%arg4 : memref<10112xi32, #tpu.memory_space<vmem>>) target_semaphore(%run_scoped3A : memref<!tpu.dma_semaphore, #tpu.memory_space<semaphore_mem>>)
      %dma_wait3A = arith.constant 0 : i32
      %dma_wait3A_18 = tpu.memref_slice %arg2[%add3A, %dma_wait3A] : memref<32x10112xi32, #tpu.memory_space<hbm>> -> memref<1x10112xi32, #tpu.memory_space<hbm>>
      %dma_wait3A_19 = tpu.memref_squeeze %dma_wait3A_18 : memref<1x10112xi32, #tpu.memory_space<hbm>> -> memref<10112xi32, #tpu.memory_space<hbm>>
      %dma_wait3A_20 = arith.constant 0 : i32
      %dma_wait3A_21 = tpu.memref_slice %arg2[%add3A, %dma_wait3A_20] : memref<32x10112xi32, #tpu.memory_space<hbm>> -> memref<1x10112xi32, #tpu.memory_space<hbm>>
      %dma_wait3A_22 = tpu.memref_squeeze %dma_wait3A_21 : memref<1x10112xi32, #tpu.memory_space<hbm>> -> memref<10112xi32, #tpu.memory_space<hbm>>
      tpu.wait_dma2 semaphore(%run_scoped3A : memref<!tpu.dma_semaphore, #tpu.memory_space<semaphore_mem>>) src(%dma_wait3A_22 : memref<10112xi32, #tpu.memory_space<hbm>>) dst(%arg4 : memref<10112xi32, #tpu.memory_space<vmem>>)
      tpu.yield
    }) : () -> ()
    %scan3A = arith.constant 0 : i32
    %scan3A_1 = arith.constant 0 : i32
    %scan3A_2 = arith.constant 640 : i32
    %scan3A_3 = arith.addi %scan3A_1, %scan3A_2 : i32
    %scan3A_4 = arith.constant 1 : i32
    scf.for %scan3A_13 = %scan3A_1 to %scan3A_3 step %scan3A_4  : i32 {
      %broadcast_in_dim3A_14 = arith.constant 0.000000e+00 : f32
      %broadcast_in_dim3A_15 = vector.broadcast %broadcast_in_dim3A_14 : f32 to vector<16xf32>
      %mul3A_16 = arith.constant 16 : i32
      %mul3A_17 = arith.muli %scan3A_13, %mul3A_16 : i32
      %swap3A = arith.index_cast %mul3A_17 : i32 to index
      %swap3A_18 = tpu.vector_load %arg5[%swap3A] {strides = array<i32>} : memref<10240xf32, #tpu.memory_space<vmem>>, vector<16xf32>,
      tpu.vector_store %arg5[%swap3A], %broadcast_in_dim3A_15 {strides = array<i32>} : memref<10240xf32, #tpu.memory_space<vmem>>, vector<16xf32>,
    }
    %scan3A_5 = arith.constant 640 : i32
    %broadcast_in_dim3A = arith.constant 1.000000e+00 : f32
    %broadcast_in_dim3A_6 = vector.broadcast %broadcast_in_dim3A : f32 to vector<16xf32>
    %scan3A_7 = arith.constant 0 : i32
    %scan3A_8 = arith.constant 0 : i32
    %scan3A_9 = arith.constant 79 : i32
    %scan3A_10 = arith.addi %scan3A_8, %scan3A_9 : i32
    %scan3A_11 = arith.constant 1 : i32
    scf.for %scan3A_13 = %scan3A_8 to %scan3A_10 step %scan3A_11  : i32 {
      %scan3A_14 = arith.constant 0 : i32
      %scan3A_15 = arith.constant 8 : i32
      %scan3A_16 = arith.addi %scan3A_14, %scan3A_15 : i32
      %scan3A_17 = arith.constant 1 : i32
      scf.for %scan3A_19 = %scan3A_14 to %scan3A_16 step %scan3A_17  : i32 {
        %mul3A_20 = arith.constant 128 : i32
        %mul3A_21 = arith.muli %scan3A_13, %mul3A_20 : i32
        %mul3A_22 = arith.constant 16 : i32
        %mul3A_23 = arith.muli %scan3A_19, %mul3A_22 : i32
        %add3A_24 = arith.addi %mul3A_21, %mul3A_23 : i32
        %get3A = arith.index_cast %add3A_24 : i32 to index
        %get3A_25 = tpu.vector_load %arg4[%get3A] {strides = array<i32>} : memref<10112xi32, #tpu.memory_space<vmem>>, vector<16xi32>,
        tpu.vector_store_idx %arg5[%get3A_25], %broadcast_in_dim3A_6 {add = true} : memref<10240xf32, #tpu.memory_space<vmem>>[vector<16xi32>], vector<16xf32>,
      }
      %scan3A_18 = arith.constant 8 : i32
    }
    %scan3A_12 = arith.constant 79 : i32
    "tpu.region"() ({
      %run_scoped3A = tpu.sem_alloc : memref<!tpu.dma_semaphore, #tpu.memory_space<semaphore_mem>>
      %dma_start3A = arith.constant 0 : i32
      %dma_start3A_13 = tpu.memref_slice %arg3[%arg0, %arg1, %dma_start3A] : memref<2x16x10240xf32, #tpu.memory_space<hbm>> -> memref<1x1x10240xf32, #tpu.memory_space<hbm>>
      %dma_start3A_14 = tpu.memref_squeeze %dma_start3A_13 : memref<1x1x10240xf32, #tpu.memory_space<hbm>> -> memref<10240xf32, #tpu.memory_space<hbm>>
      %dma_start3A_15 = arith.constant 0 : i32
      %dma_start3A_16 = tpu.memref_slice %arg3[%arg0, %arg1, %dma_start3A_15] : memref<2x16x10240xf32, #tpu.memory_space<hbm>> -> memref<1x1x10240xf32, #tpu.memory_space<hbm>>
      %dma_start3A_17 = tpu.memref_squeeze %dma_start3A_16 : memref<1x1x10240xf32, #tpu.memory_space<hbm>> -> memref<10240xf32, #tpu.memory_space<hbm>>
      tpu.enqueue_dma source(%arg5 : memref<10240xf32, #tpu.memory_space<vmem>>) target(%dma_start3A_17 : memref<10240xf32, #tpu.memory_space<hbm>>) target_semaphore(%run_scoped3A : memref<!tpu.dma_semaphore, #tpu.memory_space<semaphore_mem>>)
      %dma_wait3A = arith.constant 0 : i32
      %dma_wait3A_18 = tpu.memref_slice %arg3[%arg0, %arg1, %dma_wait3A] : memref<2x16x10240xf32, #tpu.memory_space<hbm>> -> memref<1x1x10240xf32, #tpu.memory_space<hbm>>
      %dma_wait3A_19 = tpu.memref_squeeze %dma_wait3A_18 : memref<1x1x10240xf32, #tpu.memory_space<hbm>> -> memref<10240xf32, #tpu.memory_space<hbm>>
      %dma_wait3A_20 = arith.constant 0 : i32
      %dma_wait3A_21 = tpu.memref_slice %arg3[%arg0, %arg1, %dma_wait3A_20] : memref<2x16x10240xf32, #tpu.memory_space<hbm>> -> memref<1x1x10240xf32, #tpu.memory_space<hbm>>
      %dma_wait3A_22 = tpu.memref_squeeze %dma_wait3A_21 : memref<1x1x10240xf32, #tpu.memory_space<hbm>> -> memref<10240xf32, #tpu.memory_space<hbm>>
      tpu.wait_dma2 semaphore(%run_scoped3A : memref<!tpu.dma_semaphore, #tpu.memory_space<semaphore_mem>>) src(%arg5 : memref<10240xf32, #tpu.memory_space<vmem>>) dst(%dma_wait3A_22 : memref<10240xf32, #tpu.memory_space<hbm>>)
      tpu.yield
    }) : () -> ()
    return
  }
}

module attributes {stable_mosaic.version = 14 : i64} {
  func.func @_post_body(%arg0: i32, %arg1: memref<2x1024x128xf32, #tpu.memory_space<vmem>>, %arg2: memref<1024x128xf32, #tpu.memory_space<vmem>>, %arg3: memref<1024x128xf32, #tpu.memory_space<vmem>>, %arg4: memref<1x128xf32, #tpu.memory_space<vmem>>, %arg5: memref<128x128xf32, #tpu.memory_space<vmem>>, %arg6: memref<1024x128xf32, #tpu.memory_space<vmem>>, %arg7: memref<1024x128xf32, #tpu.memory_space<vmem>>) attributes {dimension_semantics = [#tpu.dimension_semantics<arbitrary>], iteration_bounds = array<i64: 10>, scalar_prefetch = 0 : i64, scratch_operands = 0 : i64, tpu.core_type = #tpu.core_type<tc>, window_params = [{transform_indices = @transform_0, window_bounds = array<i64: 2, 1024, 128>}, {transform_indices = @transform_1, window_bounds = array<i64: 1024, 128>}, {transform_indices = @transform_2, window_bounds = array<i64: 1024, 128>}, {pipeline_mode = #tpu.pipeline_mode<synchronous>, transform_indices = @transform_3, window_bounds = array<i64: 1, 128>}, {pipeline_mode = #tpu.pipeline_mode<synchronous>, transform_indices = @transform_4, window_bounds = array<i64: 128, 128>}, {transform_indices = @transform_5, window_bounds = array<i64: 1024, 128>}, {transform_indices = @transform_6, window_bounds = array<i64: 1024, 128>}]} {
    %get3A = arith.constant 0 : index
    %get3A_0 = arith.constant 0 : index
    %get3A_1 = arith.constant 0 : index
    %get3A_2 = vector.load %arg1[%get3A, %get3A_0, %get3A_1] : memref<2x1024x128xf32, #tpu.memory_space<vmem>>, vector<1x1024x128xf32>
    %get3A_3 = vector.shape_cast %get3A_2 : vector<1x1024x128xf32> to vector<1024x128xf32>
    %get3A_4 = arith.constant 1 : index
    %get3A_5 = arith.constant 0 : index
    %get3A_6 = arith.constant 0 : index
    %get3A_7 = vector.load %arg1[%get3A_4, %get3A_5, %get3A_6] : memref<2x1024x128xf32, #tpu.memory_space<vmem>>, vector<1x1024x128xf32>
    %get3A_8 = vector.shape_cast %get3A_7 : vector<1x1024x128xf32> to vector<1024x128xf32>
    %add3A = arith.addf %get3A_3, %get3A_8 : vector<1024x128xf32>
    %get3A_9 = arith.constant 0 : index
    %get3A_10 = arith.constant 0 : index
    %get3A_11 = vector.load %arg3[%get3A_9, %get3A_10] : memref<1024x128xf32, #tpu.memory_space<vmem>>, vector<1024x128xf32>
    %get3A_12 = arith.constant 0 : index
    %get3A_13 = arith.constant 0 : index
    %get3A_14 = vector.load %arg2[%get3A_12, %get3A_13] : memref<1024x128xf32, #tpu.memory_space<vmem>>, vector<1024x128xf32>
    %add3A_15 = arith.addf %add3A, %get3A_14 : vector<1024x128xf32>
    %mul3A = arith.mulf %get3A_11, %add3A_15 : vector<1024x128xf32>
    %get3A_16 = arith.constant 0 : index
    %get3A_17 = arith.constant 0 : index
    %get3A_18 = vector.load %arg4[%get3A_16, %get3A_17] : memref<1x128xf32, #tpu.memory_space<vmem>>, vector<1x128xf32>
    %add3A_19 = vector.broadcast %get3A_18 : vector<1x128xf32> to vector<1024x128xf32>
    %add3A_20 = arith.addf %mul3A, %add3A_19 : vector<1024x128xf32>
    %ge3A = arith.constant 0.000000e+00 : f32
    %ge3A_21 = vector.broadcast %ge3A : f32 to vector<1024x128xf32>
    %ge3A_22 = arith.cmpf oge, %add3A_20, %ge3A_21 : vector<1024x128xf32>
    %mul3A_23 = arith.constant 0.00999999977 : f32
    %mul3A_24 = vector.broadcast %mul3A_23 : f32 to vector<1024x128xf32>
    %mul3A_25 = arith.mulf %mul3A_24, %add3A_20 : vector<1024x128xf32>
    %select_n3A = arith.select %ge3A_22, %add3A_20, %mul3A_25 : vector<1024x128xi1>, vector<1024x128xf32>
    %swap3A = arith.constant 0 : index
    %swap3A_26 = arith.constant 0 : index
    %swap3A_27 = vector.load %arg6[%swap3A, %swap3A_26] : memref<1024x128xf32, #tpu.memory_space<vmem>>, vector<1024x128xf32>
    tpu.vector_store %arg6[%swap3A, %swap3A_26], %select_n3A {strides = array<i32>} : memref<1024x128xf32, #tpu.memory_space<vmem>>, vector<1024x128xf32>,
    %get3A_28 = arith.constant 0 : index
    %get3A_29 = arith.constant 0 : index
    %get3A_30 = vector.load %arg5[%get3A_28, %get3A_29] : memref<128x128xf32, #tpu.memory_space<vmem>>, vector<128x128xf32>
    %dot_general3A = arith.constant dense<0.000000e+00> : vector<1024x128xf32>
    %dot_general3A_31 = tpu.matmul %select_n3A, %get3A_30, %dot_general3A {dimension_numbers = #tpu.dot_dimension_numbers<[1], [0], [0], [1], [0, 0, 1, 1], [], []>, transpose_lhs_hint = false} : vector<1024x128xf32>, vector<128x128xf32>, vector<1024x128xf32> -> vector<1024x128xf32>
    %get3A_32 = arith.constant 0 : index
    %get3A_33 = arith.constant 0 : index
    %get3A_34 = vector.load %arg3[%get3A_32, %get3A_33] : memref<1024x128xf32, #tpu.memory_space<vmem>>, vector<1024x128xf32>
    %mul3A_35 = arith.mulf %dot_general3A_31, %get3A_34 : vector<1024x128xf32>
    %swap3A_36 = arith.constant 0 : index
    %swap3A_37 = arith.constant 0 : index
    %swap3A_38 = vector.load %arg7[%swap3A_36, %swap3A_37] : memref<1024x128xf32, #tpu.memory_space<vmem>>, vector<1024x128xf32>
    tpu.vector_store %arg7[%swap3A_36, %swap3A_37], %mul3A_35 {strides = array<i32>} : memref<1024x128xf32, #tpu.memory_space<vmem>>, vector<1024x128xf32>,
    return
  }
  func.func @transform_0(%arg0: i32) -> (i32, i32, i32) {
    %c0_i32 = arith.constant 0 : i32
    %c0_i32_0 = arith.constant 0 : i32
    %c0_i32_1 = arith.constant 0 : i32
    return %c0_i32, %arg0, %c0_i32_0 : i32, i32, i32
  }
  func.func @transform_1(%arg0: i32) -> (i32, i32) {
    %c0_i32 = arith.constant 0 : i32
    %c0_i32_0 = arith.constant 0 : i32
    return %arg0, %c0_i32 : i32, i32
  }
  func.func @transform_2(%arg0: i32) -> (i32, i32) {
    %c0_i32 = arith.constant 0 : i32
    %c0_i32_0 = arith.constant 0 : i32
    return %arg0, %c0_i32 : i32, i32
  }
  func.func @transform_3(%arg0: i32) -> (i32, i32) {
    %c0_i32 = arith.constant 0 : i32
    %c0_i32_0 = arith.constant 0 : i32
    %c0_i32_1 = arith.constant 0 : i32
    return %c0_i32, %c0_i32_0 : i32, i32
  }
  func.func @transform_4(%arg0: i32) -> (i32, i32) {
    %c0_i32 = arith.constant 0 : i32
    %c0_i32_0 = arith.constant 0 : i32
    %c0_i32_1 = arith.constant 0 : i32
    return %c0_i32, %c0_i32_0 : i32, i32
  }
  func.func @transform_5(%arg0: i32) -> (i32, i32) {
    %c0_i32 = arith.constant 0 : i32
    %c0_i32_0 = arith.constant 0 : i32
    return %arg0, %c0_i32 : i32, i32
  }
  func.func @transform_6(%arg0: i32) -> (i32, i32) {
    %c0_i32 = arith.constant 0 : i32
    %c0_i32_0 = arith.constant 0 : i32
    return %arg0, %c0_i32 : i32, i32
  }
}

module attributes {stable_mosaic.version = 14 : i64} {
  func.func @_mlp_body(%arg0: i32, %arg1: memref<1024x128xf32, #tpu.memory_space<vmem>>, %arg2: memref<128x128xf32, #tpu.memory_space<vmem>>, %arg3: memref<1x128xf32, #tpu.memory_space<vmem>>, %arg4: memref<128x128xf32, #tpu.memory_space<vmem>>, %arg5: memref<1x128xf32, #tpu.memory_space<vmem>>, %arg6: memref<1024x128xf32, #tpu.memory_space<vmem>>) attributes {dimension_semantics = [#tpu.dimension_semantics<arbitrary>], iteration_bounds = array<i64: 10>, scalar_prefetch = 0 : i64, scratch_operands = 0 : i64, tpu.core_type = #tpu.core_type<tc>, window_params = [{transform_indices = @transform_0, window_bounds = array<i64: 1024, 128>}, {pipeline_mode = #tpu.pipeline_mode<synchronous>, transform_indices = @transform_1, window_bounds = array<i64: 128, 128>}, {pipeline_mode = #tpu.pipeline_mode<synchronous>, transform_indices = @transform_2, window_bounds = array<i64: 1, 128>}, {pipeline_mode = #tpu.pipeline_mode<synchronous>, transform_indices = @transform_3, window_bounds = array<i64: 128, 128>}, {pipeline_mode = #tpu.pipeline_mode<synchronous>, transform_indices = @transform_4, window_bounds = array<i64: 1, 128>}, {transform_indices = @transform_5, window_bounds = array<i64: 1024, 128>}]} {
    %get3A = arith.constant 0 : index
    %get3A_0 = arith.constant 0 : index
    %get3A_1 = vector.load %arg1[%get3A, %get3A_0] : memref<1024x128xf32, #tpu.memory_space<vmem>>, vector<1024x128xf32>
    %get3A_2 = arith.constant 0 : index
    %get3A_3 = arith.constant 0 : index
    %get3A_4 = vector.load %arg2[%get3A_2, %get3A_3] : memref<128x128xf32, #tpu.memory_space<vmem>>, vector<128x128xf32>
    %dot_general3A = arith.constant dense<0.000000e+00> : vector<1024x128xf32>
    %dot_general3A_5 = tpu.matmul %get3A_1, %get3A_4, %dot_general3A {dimension_numbers = #tpu.dot_dimension_numbers<[1], [0], [0], [1], [0, 0, 1, 1], [], []>, transpose_lhs_hint = false} : vector<1024x128xf32>, vector<128x128xf32>, vector<1024x128xf32> -> vector<1024x128xf32>
    %get3A_6 = arith.constant 0 : index
    %get3A_7 = arith.constant 0 : index
    %get3A_8 = vector.load %arg3[%get3A_6, %get3A_7] : memref<1x128xf32, #tpu.memory_space<vmem>>, vector<1x128xf32>
    %add3A = vector.broadcast %get3A_8 : vector<1x128xf32> to vector<1024x128xf32>
    %add3A_9 = arith.addf %dot_general3A_5, %add3A : vector<1024x128xf32>
    %ge3A = arith.constant 0.000000e+00 : f32
    %ge3A_10 = vector.broadcast %ge3A : f32 to vector<1024x128xf32>
    %ge3A_11 = arith.cmpf oge, %add3A_9, %ge3A_10 : vector<1024x128xf32>
    %mul3A = arith.constant 0.00999999977 : f32
    %mul3A_12 = vector.broadcast %mul3A : f32 to vector<1024x128xf32>
    %mul3A_13 = arith.mulf %mul3A_12, %add3A_9 : vector<1024x128xf32>
    %select_n3A = arith.select %ge3A_11, %add3A_9, %mul3A_13 : vector<1024x128xi1>, vector<1024x128xf32>
    %get3A_14 = arith.constant 0 : index
    %get3A_15 = arith.constant 0 : index
    %get3A_16 = vector.load %arg4[%get3A_14, %get3A_15] : memref<128x128xf32, #tpu.memory_space<vmem>>, vector<128x128xf32>
    %dot_general3A_17 = arith.constant dense<0.000000e+00> : vector<1024x128xf32>
    %dot_general3A_18 = tpu.matmul %select_n3A, %get3A_16, %dot_general3A_17 {dimension_numbers = #tpu.dot_dimension_numbers<[1], [0], [0], [1], [0, 0, 1, 1], [], []>, transpose_lhs_hint = false} : vector<1024x128xf32>, vector<128x128xf32>, vector<1024x128xf32> -> vector<1024x128xf32>
    %get3A_19 = arith.constant 0 : index
    %get3A_20 = arith.constant 0 : index
    %get3A_21 = vector.load %arg5[%get3A_19, %get3A_20] : memref<1x128xf32, #tpu.memory_space<vmem>>, vector<1x128xf32>
    %add3A_22 = vector.broadcast %get3A_21 : vector<1x128xf32> to vector<1024x128xf32>
    %add3A_23 = arith.addf %dot_general3A_18, %add3A_22 : vector<1024x128xf32>
    %ge3A_24 = arith.constant 0.000000e+00 : f32
    %ge3A_25 = vector.broadcast %ge3A_24 : f32 to vector<1024x128xf32>
    %ge3A_26 = arith.cmpf oge, %add3A_23, %ge3A_25 : vector<1024x128xf32>
    %mul3A_27 = arith.constant 0.00999999977 : f32
    %mul3A_28 = vector.broadcast %mul3A_27 : f32 to vector<1024x128xf32>
    %mul3A_29 = arith.mulf %mul3A_28, %add3A_23 : vector<1024x128xf32>
    %select_n3A_30 = arith.select %ge3A_26, %add3A_23, %mul3A_29 : vector<1024x128xi1>, vector<1024x128xf32>
    %swap3A = arith.constant 0 : index
    %swap3A_31 = arith.constant 0 : index
    %swap3A_32 = vector.load %arg6[%swap3A, %swap3A_31] : memref<1024x128xf32, #tpu.memory_space<vmem>>, vector<1024x128xf32>
    tpu.vector_store %arg6[%swap3A, %swap3A_31], %select_n3A_30 {strides = array<i32>} : memref<1024x128xf32, #tpu.memory_space<vmem>>, vector<1024x128xf32>,
    return
  }
  func.func @transform_0(%arg0: i32) -> (i32, i32) {
    %c0_i32 = arith.constant 0 : i32
    %c0_i32_0 = arith.constant 0 : i32
    return %arg0, %c0_i32 : i32, i32
  }
  func.func @transform_1(%arg0: i32) -> (i32, i32) {
    %c0_i32 = arith.constant 0 : i32
    %c0_i32_0 = arith.constant 0 : i32
    %c0_i32_1 = arith.constant 0 : i32
    return %c0_i32, %c0_i32_0 : i32, i32
  }
  func.func @transform_2(%arg0: i32) -> (i32, i32) {
    %c0_i32 = arith.constant 0 : i32
    %c0_i32_0 = arith.constant 0 : i32
    %c0_i32_1 = arith.constant 0 : i32
    return %c0_i32, %c0_i32_0 : i32, i32
  }
  func.func @transform_3(%arg0: i32) -> (i32, i32) {
    %c0_i32 = arith.constant 0 : i32
    %c0_i32_0 = arith.constant 0 : i32
    %c0_i32_1 = arith.constant 0 : i32
    return %c0_i32, %c0_i32_0 : i32, i32
  }
  func.func @transform_4(%arg0: i32) -> (i32, i32) {
    %c0_i32 = arith.constant 0 : i32
    %c0_i32_0 = arith.constant 0 : i32
    %c0_i32_1 = arith.constant 0 : i32
    return %c0_i32, %c0_i32_0 : i32, i32
  }
  func.func @transform_5(%arg0: i32) -> (i32, i32) {
    %c0_i32 = arith.constant 0 : i32
    %c0_i32_0 = arith.constant 0 : i32
    return %arg0, %c0_i32 : i32, i32
  }
}

module attributes {stable_mosaic.version = 14 : i64} {
  func.func @_scale_body(%arg0: i32, %arg1: memref<2x16x1024xf32, #tpu.memory_space<vmem>>, %arg2: memref<1024x128xf32, #tpu.memory_space<vmem>>, %arg3: memref<128x128xf32, #tpu.memory_space<vmem>>, %arg4: memref<1024x128xf32, #tpu.memory_space<vmem>>, %arg5: memref<1024x128xf32, #tpu.memory_space<vmem>>) attributes {dimension_semantics = [#tpu.dimension_semantics<arbitrary>], iteration_bounds = array<i64: 10>, scalar_prefetch = 0 : i64, scratch_operands = 0 : i64, tpu.core_type = #tpu.core_type<tc>, window_params = [{transform_indices = @transform_0, window_bounds = array<i64: 2, 16, 1024>}, {transform_indices = @transform_1, window_bounds = array<i64: 1024, 128>}, {pipeline_mode = #tpu.pipeline_mode<synchronous>, transform_indices = @transform_2, window_bounds = array<i64: 128, 128>}, {transform_indices = @transform_3, window_bounds = array<i64: 1024, 128>}, {transform_indices = @transform_4, window_bounds = array<i64: 1024, 128>}]} {
    %get3A = arith.constant 0 : index
    %get3A_0 = arith.constant 0 : index
    %get3A_1 = arith.constant 0 : index
    %get3A_2 = vector.load %arg1[%get3A, %get3A_0, %get3A_1] : memref<2x16x1024xf32, #tpu.memory_space<vmem>>, vector<2x16x1024xf32>
    %reduce_sum3A = arith.constant dense<0.000000e+00> : vector<1024xf32>
    %reduce_sum3A_3 = vector.multi_reduction <add>, %get3A_2, %reduce_sum3A [0, 1] : vector<2x16x1024xf32> to vector<1024xf32>
    %add3A = arith.constant 1.000000e+00 : f32
    %add3A_4 = vector.broadcast %add3A : f32 to vector<1024xf32>
    %add3A_5 = arith.addf %add3A_4, %reduce_sum3A_3 : vector<1024xf32>
    %rsqrt3A = math.rsqrt %add3A_5 : vector<1024xf32>
    %broadcast_in_dim3A = vector.shape_cast %rsqrt3A : vector<1024xf32> to vector<1024x1xf32>
    %get3A_6 = arith.constant 0 : index
    %get3A_7 = arith.constant 0 : index
    %get3A_8 = vector.load %arg2[%get3A_6, %get3A_7] : memref<1024x128xf32, #tpu.memory_space<vmem>>, vector<1024x128xf32>
    %get3A_9 = arith.constant 0 : index
    %get3A_10 = arith.constant 0 : index
    %get3A_11 = vector.load %arg3[%get3A_9, %get3A_10] : memref<128x128xf32, #tpu.memory_space<vmem>>, vector<128x128xf32>
    %dot_general3A = arith.constant dense<0.000000e+00> : vector<1024x128xf32>
    %dot_general3A_12 = tpu.matmul %get3A_8, %get3A_11, %dot_general3A {dimension_numbers = #tpu.dot_dimension_numbers<[1], [0], [0], [1], [0, 0, 1, 1], [], []>, transpose_lhs_hint = false} : vector<1024x128xf32>, vector<128x128xf32>, vector<1024x128xf32> -> vector<1024x128xf32>
    %mul3A = vector.broadcast %broadcast_in_dim3A : vector<1024x1xf32> to vector<1024x128xf32>
    %mul3A_13 = arith.mulf %dot_general3A_12, %mul3A : vector<1024x128xf32>
    %swap3A = arith.constant 0 : index
    %swap3A_14 = arith.constant 0 : index
    %swap3A_15 = vector.load %arg4[%swap3A, %swap3A_14] : memref<1024x128xf32, #tpu.memory_space<vmem>>, vector<1024x128xf32>
    tpu.vector_store %arg4[%swap3A, %swap3A_14], %mul3A_13 {strides = array<i32>} : memref<1024x128xf32, #tpu.memory_space<vmem>>, vector<1024x128xf32>,
    %broadcast_in_dim3A_16 = vector.shape_cast %broadcast_in_dim3A : vector<1024x1xf32> to vector<1024x1xf32>
    %broadcast_in_dim3A_17 = vector.broadcast %broadcast_in_dim3A_16 : vector<1024x1xf32> to vector<1024x128xf32>
    %swap3A_18 = arith.constant 0 : index
    %swap3A_19 = arith.constant 0 : index
    %swap3A_20 = vector.load %arg5[%swap3A_18, %swap3A_19] : memref<1024x128xf32, #tpu.memory_space<vmem>>, vector<1024x128xf32>
    tpu.vector_store %arg5[%swap3A_18, %swap3A_19], %broadcast_in_dim3A_17 {strides = array<i32>} : memref<1024x128xf32, #tpu.memory_space<vmem>>, vector<1024x128xf32>,
    return
  }
  func.func @transform_0(%arg0: i32) -> (i32, i32, i32) {
    %c0_i32 = arith.constant 0 : i32
    %c0_i32_0 = arith.constant 0 : i32
    %c0_i32_1 = arith.constant 0 : i32
    return %c0_i32, %c0_i32_0, %arg0 : i32, i32, i32
  }
  func.func @transform_1(%arg0: i32) -> (i32, i32) {
    %c0_i32 = arith.constant 0 : i32
    %c0_i32_0 = arith.constant 0 : i32
    return %arg0, %c0_i32 : i32, i32
  }
  func.func @transform_2(%arg0: i32) -> (i32, i32) {
    %c0_i32 = arith.constant 0 : i32
    %c0_i32_0 = arith.constant 0 : i32
    %c0_i32_1 = arith.constant 0 : i32
    return %c0_i32, %c0_i32_0 : i32, i32
  }
  func.func @transform_3(%arg0: i32) -> (i32, i32) {
    %c0_i32 = arith.constant 0 : i32
    %c0_i32_0 = arith.constant 0 : i32
    return %arg0, %c0_i32 : i32, i32
  }
  func.func @transform_4(%arg0: i32) -> (i32, i32) {
    %c0_i32 = arith.constant 0 : i32
    %c0_i32_0 = arith.constant 0 : i32
    return %arg0, %c0_i32 : i32, i32
  }
}

module attributes {stable_mosaic.version = 14 : i64} {
  func.func @_final_body(%arg0: i32, %arg1: memref<2x1024x128xf32, #tpu.memory_space<vmem>>, %arg2: memref<1024x128xf32, #tpu.memory_space<vmem>>, %arg3: memref<1024x128xf32, #tpu.memory_space<vmem>>, %arg4: memref<1x128xf32, #tpu.memory_space<vmem>>, %arg5: memref<128x128xf32, #tpu.memory_space<vmem>>, %arg6: memref<1x128xf32, #tpu.memory_space<vmem>>, %arg7: memref<1024x128xf32, #tpu.memory_space<vmem>>, %arg8: memref<1024x128xf32, #tpu.memory_space<vmem>>) attributes {dimension_semantics = [#tpu.dimension_semantics<arbitrary>], iteration_bounds = array<i64: 10>, scalar_prefetch = 0 : i64, scratch_operands = 0 : i64, tpu.core_type = #tpu.core_type<tc>, window_params = [{transform_indices = @transform_0, window_bounds = array<i64: 2, 1024, 128>}, {transform_indices = @transform_1, window_bounds = array<i64: 1024, 128>}, {transform_indices = @transform_2, window_bounds = array<i64: 1024, 128>}, {pipeline_mode = #tpu.pipeline_mode<synchronous>, transform_indices = @transform_3, window_bounds = array<i64: 1, 128>}, {pipeline_mode = #tpu.pipeline_mode<synchronous>, transform_indices = @transform_4, window_bounds = array<i64: 128, 128>}, {pipeline_mode = #tpu.pipeline_mode<synchronous>, transform_indices = @transform_5, window_bounds = array<i64: 1, 128>}, {transform_indices = @transform_6, window_bounds = array<i64: 1024, 128>}, {transform_indices = @transform_7, window_bounds = array<i64: 1024, 128>}]} {
    %get3A = arith.constant 0 : index
    %get3A_0 = arith.constant 0 : index
    %get3A_1 = arith.constant 0 : index
    %get3A_2 = vector.load %arg1[%get3A, %get3A_0, %get3A_1] : memref<2x1024x128xf32, #tpu.memory_space<vmem>>, vector<1x1024x128xf32>
    %get3A_3 = vector.shape_cast %get3A_2 : vector<1x1024x128xf32> to vector<1024x128xf32>
    %get3A_4 = arith.constant 1 : index
    %get3A_5 = arith.constant 0 : index
    %get3A_6 = arith.constant 0 : index
    %get3A_7 = vector.load %arg1[%get3A_4, %get3A_5, %get3A_6] : memref<2x1024x128xf32, #tpu.memory_space<vmem>>, vector<1x1024x128xf32>
    %get3A_8 = vector.shape_cast %get3A_7 : vector<1x1024x128xf32> to vector<1024x128xf32>
    %add3A = arith.addf %get3A_3, %get3A_8 : vector<1024x128xf32>
    %get3A_9 = arith.constant 0 : index
    %get3A_10 = arith.constant 0 : index
    %get3A_11 = vector.load %arg3[%get3A_9, %get3A_10] : memref<1024x128xf32, #tpu.memory_space<vmem>>, vector<1024x128xf32>
    %get3A_12 = arith.constant 0 : index
    %get3A_13 = arith.constant 0 : index
    %get3A_14 = vector.load %arg2[%get3A_12, %get3A_13] : memref<1024x128xf32, #tpu.memory_space<vmem>>, vector<1024x128xf32>
    %add3A_15 = arith.addf %add3A, %get3A_14 : vector<1024x128xf32>
    %mul3A = arith.mulf %get3A_11, %add3A_15 : vector<1024x128xf32>
    %get3A_16 = arith.constant 0 : index
    %get3A_17 = arith.constant 0 : index
    %get3A_18 = vector.load %arg4[%get3A_16, %get3A_17] : memref<1x128xf32, #tpu.memory_space<vmem>>, vector<1x128xf32>
    %add3A_19 = vector.broadcast %get3A_18 : vector<1x128xf32> to vector<1024x128xf32>
    %add3A_20 = arith.addf %mul3A, %add3A_19 : vector<1024x128xf32>
    %ge3A = arith.constant 0.000000e+00 : f32
    %ge3A_21 = vector.broadcast %ge3A : f32 to vector<1024x128xf32>
    %ge3A_22 = arith.cmpf oge, %add3A_20, %ge3A_21 : vector<1024x128xf32>
    %mul3A_23 = arith.constant 0.00999999977 : f32
    %mul3A_24 = vector.broadcast %mul3A_23 : f32 to vector<1024x128xf32>
    %mul3A_25 = arith.mulf %mul3A_24, %add3A_20 : vector<1024x128xf32>
    %select_n3A = arith.select %ge3A_22, %add3A_20, %mul3A_25 : vector<1024x128xi1>, vector<1024x128xf32>
    %swap3A = arith.constant 0 : index
    %swap3A_26 = arith.constant 0 : index
    %swap3A_27 = vector.load %arg7[%swap3A, %swap3A_26] : memref<1024x128xf32, #tpu.memory_space<vmem>>, vector<1024x128xf32>
    tpu.vector_store %arg7[%swap3A, %swap3A_26], %select_n3A {strides = array<i32>} : memref<1024x128xf32, #tpu.memory_space<vmem>>, vector<1024x128xf32>,
    %get3A_28 = arith.constant 0 : index
    %get3A_29 = arith.constant 0 : index
    %get3A_30 = vector.load %arg5[%get3A_28, %get3A_29] : memref<128x128xf32, #tpu.memory_space<vmem>>, vector<128x128xf32>
    %dot_general3A = arith.constant dense<0.000000e+00> : vector<1024x128xf32>
    %dot_general3A_31 = tpu.matmul %select_n3A, %get3A_30, %dot_general3A {dimension_numbers = #tpu.dot_dimension_numbers<[1], [0], [0], [1], [0, 0, 1, 1], [], []>, transpose_lhs_hint = false} : vector<1024x128xf32>, vector<128x128xf32>, vector<1024x128xf32> -> vector<1024x128xf32>
    %get3A_32 = arith.constant 0 : index
    %get3A_33 = arith.constant 0 : index
    %get3A_34 = vector.load %arg6[%get3A_32, %get3A_33] : memref<1x128xf32, #tpu.memory_space<vmem>>, vector<1x128xf32>
    %add3A_35 = vector.broadcast %get3A_34 : vector<1x128xf32> to vector<1024x128xf32>
    %add3A_36 = arith.addf %dot_general3A_31, %add3A_35 : vector<1024x128xf32>
    %swap3A_37 = arith.constant 0 : index
    %swap3A_38 = arith.constant 0 : index
    %swap3A_39 = vector.load %arg8[%swap3A_37, %swap3A_38] : memref<1024x128xf32, #tpu.memory_space<vmem>>, vector<1024x128xf32>
    tpu.vector_store %arg8[%swap3A_37, %swap3A_38], %add3A_36 {strides = array<i32>} : memref<1024x128xf32, #tpu.memory_space<vmem>>, vector<1024x128xf32>,
    return
  }
  func.func @transform_0(%arg0: i32) -> (i32, i32, i32) {
    %c0_i32 = arith.constant 0 : i32
    %c0_i32_0 = arith.constant 0 : i32
    %c0_i32_1 = arith.constant 0 : i32
    return %c0_i32, %arg0, %c0_i32_0 : i32, i32, i32
  }
  func.func @transform_1(%arg0: i32) -> (i32, i32) {
    %c0_i32 = arith.constant 0 : i32
    %c0_i32_0 = arith.constant 0 : i32
    return %arg0, %c0_i32 : i32, i32
  }
  func.func @transform_2(%arg0: i32) -> (i32, i32) {
    %c0_i32 = arith.constant 0 : i32
    %c0_i32_0 = arith.constant 0 : i32
    return %arg0, %c0_i32 : i32, i32
  }
  func.func @transform_3(%arg0: i32) -> (i32, i32) {
    %c0_i32 = arith.constant 0 : i32
    %c0_i32_0 = arith.constant 0 : i32
    %c0_i32_1 = arith.constant 0 : i32
    return %c0_i32, %c0_i32_0 : i32, i32
  }
  func.func @transform_4(%arg0: i32) -> (i32, i32) {
    %c0_i32 = arith.constant 0 : i32
    %c0_i32_0 = arith.constant 0 : i32
    %c0_i32_1 = arith.constant 0 : i32
    return %c0_i32, %c0_i32_0 : i32, i32
  }
  func.func @transform_5(%arg0: i32) -> (i32, i32) {
    %c0_i32 = arith.constant 0 : i32
    %c0_i32_0 = arith.constant 0 : i32
    %c0_i32_1 = arith.constant 0 : i32
    return %c0_i32, %c0_i32_0 : i32, i32
  }
  func.func @transform_6(%arg0: i32) -> (i32, i32) {
    %c0_i32 = arith.constant 0 : i32
    %c0_i32_0 = arith.constant 0 : i32
    return %arg0, %c0_i32 : i32, i32
  }
  func.func @transform_7(%arg0: i32) -> (i32, i32) {
    %c0_i32 = arith.constant 0 : i32
    %c0_i32_0 = arith.constant 0 : i32
    return %arg0, %c0_i32 : i32, i32
  }
}

</mosaic_0001>

<sc_bundles>
// kernel: kernel.12.cloned.1.call-start
scs
__scs_entry_jumppad:
0x0: {  	(pc) =	sbr.rel $0x88, $3  }
0x1: {  	(tag) =	ssettag $0x0;
	lr =	simm.s32 $0x1  }
0x2: {  	[smem:$0x3F95] =	sst lr;
	_ =	strace $0xD0000000  }
0x3: {  	_ = 	snop  }
0x4: {  	_ = 	snop  }
0x5: {  	_ = 	snop  }
0x6: {  	_ = 	snop  }
0x7: {  	_ = 	snop  }
__scs_overlays_trampoline_lowered:
0x8: {  	[smem:$0x3FA4] =	sst s0  }
0x9: {  	[smem:$0x3FA5] =	sst s1  }
0xa: {  	[smem:$0x3FA6] =	sst s2  }
0xb: {  	[smem:$0x3FA7] =	sst s3  }
0xc: {  	[smem:$0x3FA8] =	sst s4  }
0xd: {  	[smem:$0x3FA9] =	sst s5  }
0xe: {  	[smem:$0x3FAA] =	sst s6  }
0xf: {  	[smem:$0x3FAB] =	sst s7  }
0x10: {  	[smem:$0x3FAC] =	sst s8  }
0x11: {  	[smem:$0x3FAD] =	sst s9;
	s0 =	simm.s32 @!p0 $0x0  }
0x12: {  	s1 =	sld [smem:$0x3F93];
	s0 =	simm.s32 @p0 $0x1  }
0x13: {  	[smem:$0x3FAE] =	sst s0;
	s0 =	simm.s32 @!p1 $0x0  }
0x14: {  	s2 =	sld [smem:$0x3F92];
	s0 =	simm.s32 @p1 $0x1  }
0x15: {  	[smem:$0x3FAF] =	sst s0;
	s0 =	simm.s32 @!p2 $0x0  }
0x16: {  	s3 =	sld [smem:$0x3FDB];
	s0 =	simm.s32 @p2 $0x1  }
0x17: {  	s4 =	simm.s32 $0x1BF5;
	[smem:$0x3FB1] =	sst s0  }
0x18: {  	s0 =	sld [smem:$0x3F94];
	_ =	swait.ge [sflag:s4], $0x0  }
0x19: {  	s7 =	sld [smem:$0x3F95]  }
0x1a: {  	s8 =	sadd.s32 $0xFFFFE003, lr  }
0x1b: {  	s9 =	sadd.s32 $0xFFFFFEF7, lr;
	s5 =	simm.s32 $0xFFFFFFFF;
	p2 =	slt.u32 s8, $0xFFFFF086  }
0x1c: {  	p1 =	slt.u32 s9, $0xF7A;
	s5 =	simm.s32 @!p2 $0x0  }
0x1d: {  	s5 =	simm.s32 @p1 $0x1;
	p0 =	seq.s32 s7, s2  }
0x1e: {  	s7 =	smul.u32 @!p0 $0xF7A, s2;
	p2 =	seq.s32 @!p0 s5, $0x0  }
0x1f: {  	s9 =	smul.u32 $0xF7A, s1;
	s8 =	simm.s32 @!p0 $0x1BF5;
	p2 =	por !p2, p0  }
0x20: {  	[sflag:s8] =	ssyncset.s32 @!p0 $0xFFFFF086;
	s6 =	sadd.s32 @!p0 s3, s7;
	s7 =	simm.s32 @!p0 $0x108  }
0x21: {  	s3 =	sadd.s32 s3, s9;
	s6 =	sadd.s32 @!p0 $0x88, s6;
	s7 =	simm.s32 @p2 $0x1082  }
0x22: {  	[simem:s7], [sflag:s8] =	dma.local @!p0 [hbm:s6], $0xF7A  }
0x23: {  	s9 =	sor.u32 $0xD0000000, s2;
	s6 =	simm.s32 $0x108;
	_ =	swait.ge @!p0 [sflag:s8], $0x0  }
0x24: {  	s3 =	sadd.s32 $0x88, s3;
	s6 =	simm.s32 @!p1 $0x1082;
	[sflag:s4] =	ssyncset.s32 $0xFFFFF086  }
0x25: {  	[simem:s6], [sflag:s4] =	dma.local [hbm:s3], $0xF7A  }
0x26: {  	[smem:$0x3F95] =	sst s1;
	(tag) =	ssettag s2;
	_ =	strace s9  }
0x27: {  	s1 =	sld [smem:$0x3FA5]  }
0x28: {  	s2 =	sld [smem:$0x3FA6]  }
0x29: {  	s4 =	sld [smem:$0x3FA8]  }
0x2a: {  	p0 =	seq.s32 s5, $0x0;
	s5 =	sld [smem:$0x3FA9]  }
0x2b: {  	s6 =	sld [smem:$0x3FAA]  }
0x2c: {  	s7 =	sld [smem:$0x3FAB]  }
0x2d: {  	s3 =	simm.s32 $0x108;
	s8 =	sld [smem:$0x3FAC]  }
0x2e: {  	s3 =	simm.s32 @!p0 $0x1082;
	s9 =	sld [smem:$0x3FAD]  }
0x2f: {  	lr =	sadd.s32 s0, s3;
	s0 =	sld [smem:$0x3FA4]  }
0x30: {  	s3 =	sld [smem:$0x3FA7]  }
0x31: {  	[smem:$0x3FB0] =	sst s10  }
0x32: {  	s10 =	sld [smem:$0x3FAE];
	_ =	sdelay $0x3  }
0x33: {  	p0 =	seq.s32 s10, $0x1;
	s10 =	sld [smem:$0x3FB0];
	_ =	sdelay $0x3  }
0x34: {  	[smem:$0x3FB0] =	sst s10  }
0x35: {  	s10 =	sld [smem:$0x3FAF];
	_ =	sdelay $0x3  }
0x36: {  	p1 =	seq.s32 s10, $0x1;
	s10 =	sld [smem:$0x3FB0];
	_ =	sdelay $0x3  }
0x37: {  	[smem:$0x3FB0] =	sst s10  }
0x38: {  	s10 =	sld [smem:$0x3FB1]  }
0x39: {  	_ = 	snop;
	(pc) =	sbr.ind lr, $3  }
0x3a: {  	_ = 	snop  }
0x3b: {  	_ = 	snop  }
0x3c: {  	p2 =	seq.s32 s10, $0x1;
	s10 =	sld [smem:$0x3FB0]  }
0x3d: {  	_ =	shalt  }
0x3e: {  	_ =	shalt  }
0x3f: {  	_ =	shalt  }
0x40: {  	_ =	shalt  }
0x41: {  	_ =	shalt  }
0x42: {  	_ =	shalt  }
0x43: {  	_ =	shalt  }
0x44: {  	_ =	shalt  }
0x45: {  	_ =	shalt  }
0x46: {  	_ =	shalt  }
0x47: {  	_ =	shalt  }
0x48: {  	_ =	shalt  }
0x49: {  	_ =	shalt  }
0x4a: {  	_ =	shalt  }
0x4b: {  	_ =	shalt  }
0x4c: {  	_ =	shalt  }
0x4d: {  	_ =	shalt  }
0x4e: {  	_ =	shalt  }
0x4f: {  	_ =	shalt  }
0x50: {  	_ =	shalt  }
0x51: {  	_ =	shalt  }
0x52: {  	_ =	shalt  }
0x53: {  	_ =	shalt  }
0x54: {  	_ =	shalt  }
0x55: {  	_ =	shalt  }
0x56: {  	_ =	shalt  }
0x57: {  	_ =	shalt  }
0x58: {  	_ =	shalt  }
0x59: {  	_ =	shalt  }
0x5a: {  	_ =	shalt  }
0x5b: {  	_ =	shalt  }
0x5c: {  	_ =	shalt  }
0x5d: {  	_ =	shalt  }
0x5e: {  	_ =	shalt  }
0x5f: {  	_ =	shalt  }
0x60: {  	_ =	shalt  }
0x61: {  	_ =	shalt  }
0x62: {  	_ =	shalt  }
0x63: {  	_ =	shalt  }
0x64: {  	_ =	shalt  }
0x65: {  	_ =	shalt  }
0x66: {  	_ =	shalt  }
0x67: {  	_ =	shalt  }
0x68: {  	_ =	shalt  }
0x69: {  	_ =	shalt  }
0x6a: {  	_ =	shalt  }
0x6b: {  	_ =	shalt  }
0x6c: {  	_ =	shalt  }
0x6d: {  	_ =	shalt  }
0x6e: {  	_ =	shalt  }
0x6f: {  	_ =	shalt  }
0x70: {  	_ =	shalt  }
0x71: {  	_ =	shalt  }
0x72: {  	_ =	shalt  }
0x73: {  	_ =	shalt  }
0x74: {  	_ =	shalt  }
0x75: {  	_ =	shalt  }
0x76: {  	_ =	shalt  }
0x77: {  	_ =	shalt  }
0x78: {  	_ =	shalt  }
0x79: {  	_ =	shalt  }
0x7a: {  	_ =	shalt  }
0x7b: {  	_ =	shalt  }
0x7c: {  	_ =	shalt  }
0x7d: {  	_ =	shalt  }
0x7e: {  	_ =	shalt  }
0x7f: {  	_ =	shalt  }
0x80: {  	_ =	shalt  }
0x81: {  	_ =	shalt  }
0x82: {  	_ =	shalt  }
0x83: {  	_ =	shalt  }
0x84: {  	_ =	shalt  }
0x85: {  	_ =	shalt  }
0x86: {  	_ =	shalt  }
0x87: {  	_ =	shalt  }
.Lfunc_end0:
.L_simem_size_0:
called_computation.1_lowered:
.L_overlay_start_0:
0x88: {  	s2 =	sld [smem:$0x3FD9]  }
0x89: {  	s3 =	sld [smem:$0x3FFE];
	_ =	sdelay $0x1  }
0x8a: {  	s1 =	srdreg.scid  }
0x8b: {  	s0 =	sand.u32 $0x1, s1  }
0x8c: {  	s14 =	sshll.u32 s0, $0xA;
	s2 =	sadd.s32 s3, s2  }
0x8d: {  	s2 =	sadd.s32 s2, s14  }
0x8e: {  	[smem:$0x3FBC] =	sst s2  }
0x8f: {  	_ = 	snop  }
0x90: {  	s2 =	sld [smem:$0x3FD0];
	_ =	sdelay $0x2  }
0x91: {  	s15 =	simm.s32 $0xA;
	s4 =	simm.s32 $0x10  }
0x92: {  	[smem:s4], [sflag:s15] =	dma.local [hbm:s2], $0x1  }
0x93: {  	_ =	swait.eq [sflag:s15], $0x1  }
0x94: {  	[sflag:s15] =	ssyncset.done $0x0  }
0x95: {  	[sflag:s15] =	ssyncadd.s32 $0xFFFFFFFF  }
0x96: {  	s16 =	sld [smem:$0x12];
	(tm) =	ssettm $0x1  }
0x97: {  	s17 =	sld [smem:$0x3FFB];
	_ =	sdelay $0x3  }
0x98: {  	_ =	strace s17  }
0x99: {  	s3 =	sld [smem:$0x3FFC];
	_ =	sdelay $0x3  }
0x9a: {  	_ =	strace s3  }
0x9b: {  	s3 =	sld [smem:$0x3FFD];
	_ =	sdelay $0x3  }
0x9c: {  	_ =	strace s3  }
0x9d: {  	_ =	strace $0x8FFFFFFF  }
0x9e: {  	s18 =	sld [smem:$0x3FDB];
	_ =	sdelay $0x1  }
0x9f: {  	s19 =	simm.s32 $_scs_section_size  }
0xa0: {  	s5 =	simm.s32 $_size__tile_overlayer_lowered;
	s6 =	simm.s32 $_tile_overlayer_lowered  }
0xa1: {  	s22 =	simm.s32 $0x1BFF;
	s21 =	sshll.u32 s6, $0x1;
	s3 =	sadd.s32 s19, s18  }
0xa2: {  	s7 =	simm.s32 $0x0;
	s20 =	sshll.u32 s5, $0x1;
	s5 =	sadd.s32 s21, s3  }
0xa3: {  	[timem:s7], [sflag:s22] =	dma.local [hbm:s5], s20  }
0xa4: {  	_ =	swait.ge [sflag:s22], s20  }
0xa5: {  	s4 =	ssub.s32 $0x0, s20;
	[sflag:s22] =	ssyncset.done $0x0  }
0xa6: {  	[sflag:s22] =	ssyncadd.s32 s4;
	_ =	sdelay $0x1  }
0xa7: {  	s23 =	simm.s32 $0x1B8B  }
0xa8: {  	_ =	swait.ge [sflag:s23], $0x1  }
0xa9: {  	[sflag:s23] =	ssyncset.done $0x0  }
0xaa: {  	s25 =	simm.s32 $0x1B8E;
	s24 =	sld [smem:$0x3FFE];
	[sflag:s23] =	ssyncadd.s32 $0xFFFFFFFF  }
0xab: {  	s26 =	simm.s32 $execute0_lowered;
	[smem:$0x3FD2] =	sst s25  }
0xac: {  	s5 =	sshll.u32 s26, $0x1;
	_ =	strace $0x80000049;
	[dreg:$0x1] =	wrdreg $0xFFFFFFFF  }
0xad: {  	s28 =	simm.s32 $_size_execute0_lowered;
	s3 =	sadd.s32 s3, s5;
	[dreg:$0x0] =	wrdreg $0x0  }
0xae: {  	s5 =	sshll.u32 s28, $0x1;
	[dreg:$0x2] =	wrdreg s3  }
0xaf: {  	[dreg:$0x3] =	wrdreg s5  }
0xb0: {  	[dreg:$0x4] =	wrdreg $0xC0  }
0xb1: {  	_ =	task [dreg:s7], $0x5FFFF  }
0xb2: {  	[dreg:$0x1] =	wrdreg $0xFFFFFFFF  }
0xb3: {  	[dreg:$0x0] =	wrdreg $0x60  }
0xb4: {  	[dreg:$0x2] =	wrdreg s16  }
0xb5: {  	[dreg:$0x3] =	wrdreg s24  }
0xb6: {  	[dreg:$0x4] =	wrdreg $0x90000  }
0xb7: {  	[dreg:$0x5] =	wrdreg $0x9  }
0xb8: {  	_ =	task.clear_ibuf [dreg:s7], $0x6FFFF;
	_ =	strace $0x90000049  }
0xb9: {  	s29 =	simm.s32 $0x9;
	_ =	strace $0x8000004B  }
0xba: {  	_ =	swait.ge [sflag:s29], $0x1  }
0xbb: {  	[sflag:s29] =	ssyncadd.s32 $0xFFFFFFFF  }
0xbc: {  	_ =	strace $0x9000004B  }
0xbd: {  	_ =	sfence  }
0xbe: {  	s30 =	sld [smem:$0x0];
	_ =	sdelay $0x2  }
0xbf: {  	s31 =	sshll.u32 s1, $0xD;
	s1 =	sshrl.u32 s1, $0x2  }
0xc0: {  	s3 =	sand.u32 $0x4000, s31;
	s1 =	sadd.s32 s1, s30  }
0xc1: {  	s0 =	sor.u32 s3, s0;
	s1 =	sshll.u32 s1, $0x11  }
0xc2: {  	s0 =	sor.u32 s1, s0  }
0xc3: {  	s0 =	sadd.s32 $0x8F2B, s0  }
0xc4: {  	[sflag:s0] =	ssyncadd.remote.s32 $0x1  }
0xc5: {  	_ =	sfence.sel $0xFFFF  }
0xc6: {  	[dreg:$0x0] =	wrdreg $0xFFFFFFFF;
	(pc) =	sbr.abs _section_cstart, $3  }
0xc7: {  	[dreg:$0x1] =	wrdreg $0xFFFFFFFF  }
0xc8: {  	_ =	task.clear_ibuf [dreg:s7], $0x2FFFF;
	_ =	strace $0x9FFFFFFF  }
0xc9: {  	(tm) =	ssettm $0x7FFFFFFF  }
tec
execute0_lowered:
.L_overlay_start_1:
0x0: {  	(tag) =	ssettag $0x1  }
0x1: {  	s1 =	rddreg [dreg:$0x0]  }
0x2: {  	s2 =	srdreg.scid;
	s7 =	rddreg [dreg:$0x1]  }
0x3: {  	s0 =	stileid.u32;
	s3 =	rddreg [dreg:$0x2];
	s4 =	simm.s32 $0x0  }
0x4: {  	s14 =	simm.s32 $0x80;
	s15 =	simm.s32 $0x5000;
	s16 =	simm.s32 $0x1  }
0x5: {  	s17 =	simm.s32 $0x0;
	s6 =	sand.u32 $0x1, s2;
	s9 =	smul.u32 $0x14000, s0  }
0x6: {  	s26 =	sshll.u32 s0, $0x1;
	[smem:$0x7FF] =	sst s4;
	s28 =	smul.u32 $0x50000, s0  }
0x7: {  	s31 =	sshll.u32 s0, $0x6;
	s2 =	sor.u32 s6, s26;
	s8 =	smul.u32 $0x140000, s6  }
0x8: {  	s6 =	ssub.s32 $0x2, s6;
	s5 =	smul.u32 $0x500, s2;
	s2 =	rddreg [dreg:$0x3]  }
0x9: {  	_ =	strace $0x8000004A;
	s29 =	sshrl.u32 s6, $0x1;
	s30 =	sshrl.u32 s28, $0x2  }
0xa: {  	s8 =	sadd.s32 s9, s8;
	s12 =	ssub.s32 s6, s29;
	s13 =	sadd.s32 s30, s3  }
0xb: {  	s6 =	sor.u32 $0x1C02, s31;
	s10 =	sadd.s32 s5, s7;
	s8 =	sshrl.u32 s8, $0x3  }
0xc: {  	s5 =	sadd.s32 $0x16E00, s7;
	s11 =	sadd.s32 s8, s7;
	s7 =	sadd.s32 $0xCE00, s10  }
0xd: {  	s8 =	sadd.s32 $0x2E00, s10;
	s10 =	smax.u32 s12, $0x1;
	s12 =	simm.s32 $0x2  }
0xe: {  	s9 =	sadd.s32 $0x19600, s11;
	s11 =	sshrl.u32 s13, $0x3;
	s13 =	simm.s32 $0x2800  }
.LBB2_1:
0xf: {  	[spmem:s11], [sflag:s6] =	dma.local [hbm:s5], $0x2800  }
0x10: {  	_ =	swait.ge [sflag:s12], $0x2800  }
0x11: {  	[sflag:s12] =	ssyncset.done $0x0  }
0x12: {  	[sflag:s12] =	ssyncadd.s32 $0xFFFFD800  }
0x13: {  	[tilespmem:s4], [sflag:$0x2] =	stream.linear.gather [hbm4b:s7+s4], $0x2780, $0x38;
	[tilespmem:$0x1D000] =	vst v63  }
0x14: {  	_ =	swait.ge [sflag:s12], $0x2780  }
0x15: {  	[sflag:s12] =	ssyncset.done $0x0  }
0x16: {  	[sflag:s12] =	ssyncadd.s32 $0xFFFFD880  }
0x17: {  	[tilespmem:s13], [sflag:$0x2] =	stream.linear.gather [hbm4b:s8+s4], $0x2780, $0x38;
	[tilespmem:$0x1D000] =	vst v63  }
0x18: {  	_ =	swait.ge [sflag:s12], $0x2780  }
0x19: {  	[sflag:s12] =	ssyncset.done $0x0  }
0x1a: {  	[sflag:s12] =	ssyncadd.s32 $0xFFFFD880  }
0x1b: {  	s18 =	simm.s32 $0x0;
	[bflag:$0x0] =	sbarrier.arrive $0xFFFF  }
0x1c: {  	[tilespmem:s15], [sflag:$0x1] =	stream.indirect.gather [hbm4b:s1+s14], $0x80, s18, s14, $0xb8;
	[tilespmem:$0x1D000] =	vst v63  }
0x1d: {  	_ =	swait.ge [sflag:s16], $0x4000  }
0x1e: {  	[sflag:s16] =	ssyncset.done $0x0  }
0x1f: {  	s31 =	simm.s32 $0x2800;
	[sflag:s16] =	ssyncadd.s32 $0xFFFFC000  }
0x20: {  	[spmem:s3] =	stream.indirect.scatter.add.f32 [tilespmem:s15], [sflag:$0x2], $0x80, s31, s14, $0xb8;
	[tilespmem:$0x1D000] =	vst v63  }
0x21: {  	_ =	swait.ge [sflag:s12], $0x4000  }
0x22: {  	s19 =	simm.s32 $0x400;
	s18 =	simm.s32 $0x200;
	[sflag:s12] =	ssyncset.done $0x0  }
.LBB2_2:
0x23: {  	s20 =	sshra.s32 s18, $0x2  }
0x24: {  	[sflag:s12] =	ssyncadd.s32 $0xFFFFC000;
	s18 =	smov.u32 s19;
	s21 =	sadd.s32 $0x200, s19  }
0x25: {  	[tilespmem:s15], [sflag:$0x1] =	stream.indirect.gather [hbm4b:s1+s14], $0x80, s20, s14, $0xb8;
	[tilespmem:$0x1D000] =	vst v63  }
0x26: {  	p0 =	sne.s32 s19, $0x9C00;
	_ =	swait.ge [sflag:s16], $0x4000  }
.Ltmp0:
0x27: {  	[sflag:s16] =	ssyncset.done $0x0;
	(pc) =	sbr.rel @p0 .LBB2_2-.Ltmp0, $4  }
0x28: {  	s19 =	sadd.s32 $0x2800, s20;
	[sflag:s16] =	ssyncadd.s32 $0xFFFFC000  }
0x29: {  	[spmem:s3] =	stream.indirect.scatter.add.f32 [tilespmem:s15], [sflag:$0x2], $0x80, s19, s14, $0xb8;
	[tilespmem:$0x1D000] =	vst v63  }
0x2a: {  	_ =	swait.ge [sflag:s12], $0x4000  }
0x2b: {  	s19 =	smov.u32 s21;
	[sflag:s12] =	ssyncset.done $0x0  }
0x2c: {  	s18 =	sshra.s32 s18, $0x2;
	[sflag:s12] =	ssyncadd.s32 $0xFFFFC000  }
0x2d: {  	[tilespmem:s15], [sflag:$0x1] =	stream.indirect.gather [hbm4b:s1+s14], $0x80, s18, s14, $0xb8;
	[tilespmem:$0x1D000] =	vst v63  }
0x2e: {  	_ =	swait.ge [sflag:s16], $0x4000  }
0x2f: {  	[sflag:s16] =	ssyncset.done $0x0  }
0x30: {  	s18 =	sadd.s32 $0x2800, s18;
	[sflag:s16] =	ssyncadd.s32 $0xFFFFC000  }
0x31: {  	[spmem:s3] =	stream.indirect.scatter.add.f32 [tilespmem:s15], [sflag:$0x2], $0x80, s18, s14, $0xb8;
	[tilespmem:$0x1D000] =	vst v63  }
0x32: {  	_ =	swait.ge [sflag:s12], $0x4000  }
0x33: {  	s17 =	sadd.s32 $0x1, s17;
	[sflag:s12] =	ssyncset.done $0x0  }
0x34: {  	p0 =	sne.s32 s17, s10;
	[sflag:s12] =	ssyncadd.s32 $0xFFFFC000  }
.Ltmp1:
0x35: {  	[bflag:$0x0] =	sbarrier.arrive $0xFFFF;
	(pc) =	sbr.rel @p0 .LBB2_1-.Ltmp1, $4  }
0x36: {  	[hbm:s9], [sflag:s6] =	dma.local [spmem:s11], $0x2800  }
0x37: {  	_ =	swait.ge [sflag:s12], $0x2800  }
0x38: {  	[sflag:s12] =	ssyncset.done $0x0  }
0x39: {  	[sflag:s12] =	ssyncadd.s32 $0xFFFFD800  }
0x3a: {  	_ =	sfence.sel $0x180000  }
0x3b: {  	[bflag:$0x0] =	sbarrier.arrive $0xFFFF  }
0x3c: {  	p0 =	sne.s32 s0, $0x0;
	_ =	strace $0x9000004A  }
0x3d: {  	s0 =	sadd.s32 @!p0 $0x100000, s2;
	[bflag:$0x2] =	sbarrier.arrive $0xFFFF  }
0x3e: {  	[sflag:s0] =	ssyncadd.tile.s32 @!p0 $0x1;
	_ =	shalt  }
.Lfunc_end2:
_tile_overlayer_lowered:
.L_overlay_start_2:
0x3f: {  	(tag) =	ssettag $0x2  }
0x40: {  	s0 =	rddreg [dreg:$0x0];
	s2 =	stileid.u32  }
0x41: {  	s1 =	rddreg [dreg:$0x1];
	p0 =	sne.s32 s2, $0x0  }
0x42: {  	s3 =	rddreg [dreg:$0x2];
	[bflag:$0x3] =	sbarrier.arrive $0xFFFF;
	s2 =	simm.s32 @!p0 $0x1C02  }
0x43: {  	[timem:s3], [sflag:s2] =	dma.local @!p0 [hbm:s0], s1  }
0x44: {  	s0 =	simm.s32 @!p0 $0x2  }
0x45: {  	_ =	swait.ge @!p0 [sflag:s0], s1  }
0x46: {  	s1 =	ssub.s32 @!p0 $0x0, s1;
	[sflag:s0] =	ssyncset.done @!p0 $0x0  }
0x47: {  	[sflag:s0] =	ssyncadd.s32 @!p0 s1  }
0x48: {  	[bflag:$0x3] =	sbarrier.arrive $0xFFFF  }
0x49: {  	_ =	shalt  }

// kernel: kernel.15.cloned.1.call-start
scs
__scs_entry_jumppad:
0x0: {  	(pc) =	sbr.rel $0x88, $3  }
0x1: {  	(tag) =	ssettag $0x0;
	lr =	simm.s32 $0x1  }
0x2: {  	[smem:$0x3F95] =	sst lr;
	_ =	strace $0xD0000000  }
0x3: {  	_ = 	snop  }
0x4: {  	_ = 	snop  }
0x5: {  	_ = 	snop  }
0x6: {  	_ = 	snop  }
0x7: {  	_ = 	snop  }
__scs_overlays_trampoline_lowered:
0x8: {  	[smem:$0x3FA4] =	sst s0  }
0x9: {  	[smem:$0x3FA5] =	sst s1  }
0xa: {  	[smem:$0x3FA6] =	sst s2  }
0xb: {  	[smem:$0x3FA7] =	sst s3  }
0xc: {  	[smem:$0x3FA8] =	sst s4  }
0xd: {  	[smem:$0x3FA9] =	sst s5  }
0xe: {  	[smem:$0x3FAA] =	sst s6  }
0xf: {  	[smem:$0x3FAB] =	sst s7  }
0x10: {  	[smem:$0x3FAC] =	sst s8  }
0x11: {  	[smem:$0x3FAD] =	sst s9;
	s0 =	simm.s32 @!p0 $0x0  }
0x12: {  	s1 =	sld [smem:$0x3F93];
	s0 =	simm.s32 @p0 $0x1  }
0x13: {  	[smem:$0x3FAE] =	sst s0;
	s0 =	simm.s32 @!p1 $0x0  }
0x14: {  	s2 =	sld [smem:$0x3F92];
	s0 =	simm.s32 @p1 $0x1  }
0x15: {  	[smem:$0x3FAF] =	sst s0;
	s0 =	simm.s32 @!p2 $0x0  }
0x16: {  	s3 =	sld [smem:$0x3FDB];
	s0 =	simm.s32 @p2 $0x1  }
0x17: {  	s4 =	simm.s32 $0x1BF5;
	[smem:$0x3FB1] =	sst s0  }
0x18: {  	s0 =	sld [smem:$0x3F94];
	_ =	swait.ge [sflag:s4], $0x0  }
0x19: {  	s7 =	sld [smem:$0x3F95]  }
0x1a: {  	s8 =	sadd.s32 $0xFFFFE003, lr  }
0x1b: {  	s9 =	sadd.s32 $0xFFFFFEF7, lr;
	s5 =	simm.s32 $0xFFFFFFFF;
	p2 =	slt.u32 s8, $0xFFFFF086  }
0x1c: {  	p1 =	slt.u32 s9, $0xF7A;
	s5 =	simm.s32 @!p2 $0x0  }
0x1d: {  	s5 =	simm.s32 @p1 $0x1;
	p0 =	seq.s32 s7, s2  }
0x1e: {  	s7 =	smul.u32 @!p0 $0xF7A, s2;
	p2 =	seq.s32 @!p0 s5, $0x0  }
0x1f: {  	s9 =	smul.u32 $0xF7A, s1;
	s8 =	simm.s32 @!p0 $0x1BF5;
	p2 =	por !p2, p0  }
0x20: {  	[sflag:s8] =	ssyncset.s32 @!p0 $0xFFFFF086;
	s6 =	sadd.s32 @!p0 s3, s7;
	s7 =	simm.s32 @!p0 $0x108  }
0x21: {  	s3 =	sadd.s32 s3, s9;
	s6 =	sadd.s32 @!p0 $0x88, s6;
	s7 =	simm.s32 @p2 $0x1082  }
0x22: {  	[simem:s7], [sflag:s8] =	dma.local @!p0 [hbm:s6], $0xF7A  }
0x23: {  	s9 =	sor.u32 $0xD0000000, s2;
	s6 =	simm.s32 $0x108;
	_ =	swait.ge @!p0 [sflag:s8], $0x0  }
0x24: {  	s3 =	sadd.s32 $0x88, s3;
	s6 =	simm.s32 @!p1 $0x1082;
	[sflag:s4] =	ssyncset.s32 $0xFFFFF086  }
0x25: {  	[simem:s6], [sflag:s4] =	dma.local [hbm:s3], $0xF7A  }
0x26: {  	[smem:$0x3F95] =	sst s1;
	(tag) =	ssettag s2;
	_ =	strace s9  }
0x27: {  	s1 =	sld [smem:$0x3FA5]  }
0x28: {  	s2 =	sld [smem:$0x3FA6]  }
0x29: {  	s4 =	sld [smem:$0x3FA8]  }
0x2a: {  	p0 =	seq.s32 s5, $0x0;
	s5 =	sld [smem:$0x3FA9]  }
0x2b: {  	s6 =	sld [smem:$0x3FAA]  }
0x2c: {  	s7 =	sld [smem:$0x3FAB]  }
0x2d: {  	s3 =	simm.s32 $0x108;
	s8 =	sld [smem:$0x3FAC]  }
0x2e: {  	s3 =	simm.s32 @!p0 $0x1082;
	s9 =	sld [smem:$0x3FAD]  }
0x2f: {  	lr =	sadd.s32 s0, s3;
	s0 =	sld [smem:$0x3FA4]  }
0x30: {  	s3 =	sld [smem:$0x3FA7]  }
0x31: {  	[smem:$0x3FB0] =	sst s10  }
0x32: {  	s10 =	sld [smem:$0x3FAE];
	_ =	sdelay $0x3  }
0x33: {  	p0 =	seq.s32 s10, $0x1;
	s10 =	sld [smem:$0x3FB0];
	_ =	sdelay $0x3  }
0x34: {  	[smem:$0x3FB0] =	sst s10  }
0x35: {  	s10 =	sld [smem:$0x3FAF];
	_ =	sdelay $0x3  }
0x36: {  	p1 =	seq.s32 s10, $0x1;
	s10 =	sld [smem:$0x3FB0];
	_ =	sdelay $0x3  }
0x37: {  	[smem:$0x3FB0] =	sst s10  }
0x38: {  	s10 =	sld [smem:$0x3FB1]  }
0x39: {  	_ = 	snop;
	(pc) =	sbr.ind lr, $3  }
0x3a: {  	_ = 	snop  }
0x3b: {  	_ = 	snop  }
0x3c: {  	p2 =	seq.s32 s10, $0x1;
	s10 =	sld [smem:$0x3FB0]  }
0x3d: {  	_ =	shalt  }
0x3e: {  	_ =	shalt  }
0x3f: {  	_ =	shalt  }
0x40: {  	_ =	shalt  }
0x41: {  	_ =	shalt  }
0x42: {  	_ =	shalt  }
0x43: {  	_ =	shalt  }
0x44: {  	_ =	shalt  }
0x45: {  	_ =	shalt  }
0x46: {  	_ =	shalt  }
0x47: {  	_ =	shalt  }
0x48: {  	_ =	shalt  }
0x49: {  	_ =	shalt  }
0x4a: {  	_ =	shalt  }
0x4b: {  	_ =	shalt  }
0x4c: {  	_ =	shalt  }
0x4d: {  	_ =	shalt  }
0x4e: {  	_ =	shalt  }
0x4f: {  	_ =	shalt  }
0x50: {  	_ =	shalt  }
0x51: {  	_ =	shalt  }
0x52: {  	_ =	shalt  }
0x53: {  	_ =	shalt  }
0x54: {  	_ =	shalt  }
0x55: {  	_ =	shalt  }
0x56: {  	_ =	shalt  }
0x57: {  	_ =	shalt  }
0x58: {  	_ =	shalt  }
0x59: {  	_ =	shalt  }
0x5a: {  	_ =	shalt  }
0x5b: {  	_ =	shalt  }
0x5c: {  	_ =	shalt  }
0x5d: {  	_ =	shalt  }
0x5e: {  	_ =	shalt  }
0x5f: {  	_ =	shalt  }
0x60: {  	_ =	shalt  }
0x61: {  	_ =	shalt  }
0x62: {  	_ =	shalt  }
0x63: {  	_ =	shalt  }
0x64: {  	_ =	shalt  }
0x65: {  	_ =	shalt  }
0x66: {  	_ =	shalt  }
0x67: {  	_ =	shalt  }
0x68: {  	_ =	shalt  }
0x69: {  	_ =	shalt  }
0x6a: {  	_ =	shalt  }
0x6b: {  	_ =	shalt  }
0x6c: {  	_ =	shalt  }
0x6d: {  	_ =	shalt  }
0x6e: {  	_ =	shalt  }
0x6f: {  	_ =	shalt  }
0x70: {  	_ =	shalt  }
0x71: {  	_ =	shalt  }
0x72: {  	_ =	shalt  }
0x73: {  	_ =	shalt  }
0x74: {  	_ =	shalt  }
0x75: {  	_ =	shalt  }
0x76: {  	_ =	shalt  }
0x77: {  	_ =	shalt  }
0x78: {  	_ =	shalt  }
0x79: {  	_ =	shalt  }
0x7a: {  	_ =	shalt  }
0x7b: {  	_ =	shalt  }
0x7c: {  	_ =	shalt  }
0x7d: {  	_ =	shalt  }
0x7e: {  	_ =	shalt  }
0x7f: {  	_ =	shalt  }
0x80: {  	_ =	shalt  }
0x81: {  	_ =	shalt  }
0x82: {  	_ =	shalt  }
0x83: {  	_ =	shalt  }
0x84: {  	_ =	shalt  }
0x85: {  	_ =	shalt  }
0x86: {  	_ =	shalt  }
0x87: {  	_ =	shalt  }
.Lfunc_end0:
.L_simem_size_0:
called_computation.2_lowered:
.L_overlay_start_0:
0x88: {  	s2 =	sld [smem:$0x3FD9]  }
0x89: {  	s3 =	sld [smem:$0x3FFE];
	_ =	sdelay $0x1  }
0x8a: {  	s1 =	srdreg.scid  }
0x8b: {  	s0 =	sand.u32 $0x1, s1  }
0x8c: {  	s14 =	sshll.u32 s0, $0xA;
	s2 =	sadd.s32 s3, s2  }
0x8d: {  	s2 =	sadd.s32 s2, s14  }
0x8e: {  	[smem:$0x3FBC] =	sst s2  }
0x8f: {  	_ = 	snop  }
0x90: {  	s2 =	sld [smem:$0x3FD0];
	_ =	sdelay $0x2  }
0x91: {  	s15 =	simm.s32 $0xA;
	s4 =	simm.s32 $0x10  }
0x92: {  	[smem:s4], [sflag:s15] =	dma.local [hbm:s2], $0x1  }
0x93: {  	_ =	swait.eq [sflag:s15], $0x1  }
0x94: {  	[sflag:s15] =	ssyncset.done $0x0  }
0x95: {  	[sflag:s15] =	ssyncadd.s32 $0xFFFFFFFF  }
0x96: {  	s16 =	sld [smem:$0x12];
	(tm) =	ssettm $0x1  }
0x97: {  	s17 =	sld [smem:$0x3FFB];
	_ =	sdelay $0x3  }
0x98: {  	_ =	strace s17  }
0x99: {  	s3 =	sld [smem:$0x3FFC];
	_ =	sdelay $0x3  }
0x9a: {  	_ =	strace s3  }
0x9b: {  	s3 =	sld [smem:$0x3FFD];
	_ =	sdelay $0x3  }
0x9c: {  	_ =	strace s3  }
0x9d: {  	_ =	strace $0x8FFFFFFF  }
0x9e: {  	s18 =	sld [smem:$0x3FDB];
	_ =	sdelay $0x1  }
0x9f: {  	s19 =	simm.s32 $_scs_section_size  }
0xa0: {  	s5 =	simm.s32 $_size__tile_overlayer_lowered;
	s6 =	simm.s32 $_tile_overlayer_lowered  }
0xa1: {  	s22 =	simm.s32 $0x1BFF;
	s21 =	sshll.u32 s6, $0x1;
	s3 =	sadd.s32 s19, s18  }
0xa2: {  	s7 =	simm.s32 $0x0;
	s20 =	sshll.u32 s5, $0x1;
	s5 =	sadd.s32 s21, s3  }
0xa3: {  	[timem:s7], [sflag:s22] =	dma.local [hbm:s5], s20  }
0xa4: {  	_ =	swait.ge [sflag:s22], s20  }
0xa5: {  	s4 =	ssub.s32 $0x0, s20;
	[sflag:s22] =	ssyncset.done $0x0  }
0xa6: {  	[sflag:s22] =	ssyncadd.s32 s4;
	_ =	sdelay $0x1  }
0xa7: {  	s23 =	simm.s32 $0x1B8B  }
0xa8: {  	_ =	swait.ge [sflag:s23], $0x1  }
0xa9: {  	[sflag:s23] =	ssyncset.done $0x0  }
0xaa: {  	s25 =	simm.s32 $0x1B8E;
	s24 =	sld [smem:$0x3FFE];
	[sflag:s23] =	ssyncadd.s32 $0xFFFFFFFF  }
0xab: {  	s26 =	simm.s32 $execute0_lowered;
	[smem:$0x3FD2] =	sst s25  }
0xac: {  	s5 =	sshll.u32 s26, $0x1;
	_ =	strace $0x8000004C;
	[dreg:$0x1] =	wrdreg $0xFFFFFFFF  }
0xad: {  	s28 =	simm.s32 $_size_execute0_lowered;
	s3 =	sadd.s32 s3, s5;
	[dreg:$0x0] =	wrdreg $0x0  }
0xae: {  	s5 =	sshll.u32 s28, $0x1;
	[dreg:$0x2] =	wrdreg s3  }
0xaf: {  	[dreg:$0x3] =	wrdreg s5  }
0xb0: {  	[dreg:$0x4] =	wrdreg $0xC0  }
0xb1: {  	_ =	task [dreg:s7], $0x5FFFF  }
0xb2: {  	[dreg:$0x1] =	wrdreg $0xFFFFFFFF  }
0xb3: {  	[dreg:$0x0] =	wrdreg $0x60  }
0xb4: {  	[dreg:$0x2] =	wrdreg s16  }
0xb5: {  	[dreg:$0x3] =	wrdreg s24  }
0xb6: {  	[dreg:$0x4] =	wrdreg $0x90000  }
0xb7: {  	[dreg:$0x5] =	wrdreg $0x9  }
0xb8: {  	_ =	task.clear_ibuf [dreg:s7], $0x6FFFF;
	_ =	strace $0x9000004C  }
0xb9: {  	s29 =	simm.s32 $0x9;
	_ =	strace $0x8000004E  }
0xba: {  	_ =	swait.ge [sflag:s29], $0x1  }
0xbb: {  	[sflag:s29] =	ssyncadd.s32 $0xFFFFFFFF  }
0xbc: {  	_ =	strace $0x9000004E  }
0xbd: {  	_ =	sfence  }
0xbe: {  	s30 =	sld [smem:$0x0];
	_ =	sdelay $0x2  }
0xbf: {  	s31 =	sshll.u32 s1, $0xD;
	s1 =	sshrl.u32 s1, $0x2  }
0xc0: {  	s3 =	sand.u32 $0x4000, s31;
	s1 =	sadd.s32 s1, s30  }
0xc1: {  	s0 =	sor.u32 s3, s0;
	s1 =	sshll.u32 s1, $0x11  }
0xc2: {  	s0 =	sor.u32 s1, s0  }
0xc3: {  	s0 =	sadd.s32 $0x8F2B, s0  }
0xc4: {  	[sflag:s0] =	ssyncadd.remote.s32 $0x1  }
0xc5: {  	_ =	sfence.sel $0xFFFF  }
0xc6: {  	[dreg:$0x0] =	wrdreg $0xFFFFFFFF;
	(pc) =	sbr.abs _section_cstart, $3  }
0xc7: {  	[dreg:$0x1] =	wrdreg $0xFFFFFFFF  }
0xc8: {  	_ =	task.clear_ibuf [dreg:s7], $0x2FFFF;
	_ =	strace $0x9FFFFFFF  }
0xc9: {  	(tm) =	ssettm $0x7FFFFFFF  }
tec
execute0_lowered:
.L_overlay_start_1:
0x0: {  	(tag) =	ssettag $0x1  }
0x1: {  	s1 =	rddreg [dreg:$0x0]  }
0x2: {  	s2 =	srdreg.scid;
	s7 =	rddreg [dreg:$0x1]  }
0x3: {  	s0 =	stileid.u32;
	s3 =	rddreg [dreg:$0x2];
	s4 =	simm.s32 $0x0  }
0x4: {  	s14 =	simm.s32 $0x80;
	s15 =	simm.s32 $0x5000;
	s16 =	simm.s32 $0x1  }
0x5: {  	s17 =	simm.s32 $0x0;
	s6 =	sand.u32 $0x1, s2;
	s9 =	smul.u32 $0x14000, s0  }
0x6: {  	s26 =	sshll.u32 s0, $0x1;
	[smem:$0x7FF] =	sst s4;
	s28 =	smul.u32 $0x50000, s0  }
0x7: {  	s31 =	sshll.u32 s0, $0x6;
	s2 =	sor.u32 s6, s26;
	s8 =	smul.u32 $0x140000, s6  }
0x8: {  	s6 =	ssub.s32 $0x2, s6;
	s5 =	smul.u32 $0x500, s2;
	s2 =	rddreg [dreg:$0x3]  }
0x9: {  	_ =	strace $0x8000004D;
	s29 =	sshrl.u32 s6, $0x1;
	s30 =	sshrl.u32 s28, $0x2  }
0xa: {  	s8 =	sadd.s32 s9, s8;
	s12 =	ssub.s32 s6, s29;
	s13 =	sadd.s32 s30, s3  }
0xb: {  	s6 =	sor.u32 $0x1C02, s31;
	s10 =	sadd.s32 s5, s7;
	s8 =	sshrl.u32 s8, $0x3  }
0xc: {  	s5 =	sadd.s32 $0x16E00, s7;
	s11 =	sadd.s32 s8, s7;
	s7 =	sadd.s32 $0xCE00, s10  }
0xd: {  	s8 =	sadd.s32 $0x2E00, s10;
	s10 =	smax.u32 s12, $0x1;
	s12 =	simm.s32 $0x2  }
0xe: {  	s9 =	sadd.s32 $0x19600, s11;
	s11 =	sshrl.u32 s13, $0x3;
	s13 =	simm.s32 $0x2800  }
.LBB2_1:
0xf: {  	[spmem:s11], [sflag:s6] =	dma.local [hbm:s5], $0x2800  }
0x10: {  	_ =	swait.ge [sflag:s12], $0x2800  }
0x11: {  	[sflag:s12] =	ssyncset.done $0x0  }
0x12: {  	[sflag:s12] =	ssyncadd.s32 $0xFFFFD800  }
0x13: {  	[tilespmem:s4], [sflag:$0x2] =	stream.linear.gather [hbm4b:s7+s4], $0x2780, $0x38;
	[tilespmem:$0x1D000] =	vst v63  }
0x14: {  	_ =	swait.ge [sflag:s12], $0x2780  }
0x15: {  	[sflag:s12] =	ssyncset.done $0x0  }
0x16: {  	[sflag:s12] =	ssyncadd.s32 $0xFFFFD880  }
0x17: {  	[tilespmem:s13], [sflag:$0x2] =	stream.linear.gather [hbm4b:s8+s4], $0x2780, $0x38;
	[tilespmem:$0x1D000] =	vst v63  }
0x18: {  	_ =	swait.ge [sflag:s12], $0x2780  }
0x19: {  	[sflag:s12] =	ssyncset.done $0x0  }
0x1a: {  	[sflag:s12] =	ssyncadd.s32 $0xFFFFD880  }
0x1b: {  	s18 =	simm.s32 $0x0;
	[bflag:$0x0] =	sbarrier.arrive $0xFFFF  }
0x1c: {  	[tilespmem:s15], [sflag:$0x1] =	stream.indirect.gather [hbm4b:s1+s14], $0x80, s18, s14, $0xb8;
	[tilespmem:$0x1D000] =	vst v63  }
0x1d: {  	_ =	swait.ge [sflag:s16], $0x4000  }
0x1e: {  	[sflag:s16] =	ssyncset.done $0x0  }
0x1f: {  	s31 =	simm.s32 $0x2800;
	[sflag:s16] =	ssyncadd.s32 $0xFFFFC000  }
0x20: {  	[spmem:s3] =	stream.indirect.scatter.add.f32 [tilespmem:s15], [sflag:$0x2], $0x80, s31, s14, $0xb8;
	[tilespmem:$0x1D000] =	vst v63  }
0x21: {  	_ =	swait.ge [sflag:s12], $0x4000  }
0x22: {  	s19 =	simm.s32 $0x400;
	s18 =	simm.s32 $0x200;
	[sflag:s12] =	ssyncset.done $0x0  }
.LBB2_2:
0x23: {  	s20 =	sshra.s32 s18, $0x2  }
0x24: {  	[sflag:s12] =	ssyncadd.s32 $0xFFFFC000;
	s18 =	smov.u32 s19;
	s21 =	sadd.s32 $0x200, s19  }
0x25: {  	[tilespmem:s15], [sflag:$0x1] =	stream.indirect.gather [hbm4b:s1+s14], $0x80, s20, s14, $0xb8;
	[tilespmem:$0x1D000] =	vst v63  }
0x26: {  	p0 =	sne.s32 s19, $0x9C00;
	_ =	swait.ge [sflag:s16], $0x4000  }
.Ltmp0:
0x27: {  	[sflag:s16] =	ssyncset.done $0x0;
	(pc) =	sbr.rel @p0 .LBB2_2-.Ltmp0, $4  }
0x28: {  	s19 =	sadd.s32 $0x2800, s20;
	[sflag:s16] =	ssyncadd.s32 $0xFFFFC000  }
0x29: {  	[spmem:s3] =	stream.indirect.scatter.add.f32 [tilespmem:s15], [sflag:$0x2], $0x80, s19, s14, $0xb8;
	[tilespmem:$0x1D000] =	vst v63  }
0x2a: {  	_ =	swait.ge [sflag:s12], $0x4000  }
0x2b: {  	s19 =	smov.u32 s21;
	[sflag:s12] =	ssyncset.done $0x0  }
0x2c: {  	s18 =	sshra.s32 s18, $0x2;
	[sflag:s12] =	ssyncadd.s32 $0xFFFFC000  }
0x2d: {  	[tilespmem:s15], [sflag:$0x1] =	stream.indirect.gather [hbm4b:s1+s14], $0x80, s18, s14, $0xb8;
	[tilespmem:$0x1D000] =	vst v63  }
0x2e: {  	_ =	swait.ge [sflag:s16], $0x4000  }
0x2f: {  	[sflag:s16] =	ssyncset.done $0x0  }
0x30: {  	s18 =	sadd.s32 $0x2800, s18;
	[sflag:s16] =	ssyncadd.s32 $0xFFFFC000  }
0x31: {  	[spmem:s3] =	stream.indirect.scatter.add.f32 [tilespmem:s15], [sflag:$0x2], $0x80, s18, s14, $0xb8;
	[tilespmem:$0x1D000] =	vst v63  }
0x32: {  	_ =	swait.ge [sflag:s12], $0x4000  }
0x33: {  	s17 =	sadd.s32 $0x1, s17;
	[sflag:s12] =	ssyncset.done $0x0  }
0x34: {  	p0 =	sne.s32 s17, s10;
	[sflag:s12] =	ssyncadd.s32 $0xFFFFC000  }
.Ltmp1:
0x35: {  	[bflag:$0x0] =	sbarrier.arrive $0xFFFF;
	(pc) =	sbr.rel @p0 .LBB2_1-.Ltmp1, $4  }
0x36: {  	[hbm:s9], [sflag:s6] =	dma.local [spmem:s11], $0x2800  }
0x37: {  	_ =	swait.ge [sflag:s12], $0x2800  }
0x38: {  	[sflag:s12] =	ssyncset.done $0x0  }
0x39: {  	[sflag:s12] =	ssyncadd.s32 $0xFFFFD800  }
0x3a: {  	_ =	sfence.sel $0x180000  }
0x3b: {  	[bflag:$0x0] =	sbarrier.arrive $0xFFFF  }
0x3c: {  	p0 =	sne.s32 s0, $0x0;
	_ =	strace $0x9000004D  }
0x3d: {  	s0 =	sadd.s32 @!p0 $0x100000, s2;
	[bflag:$0x2] =	sbarrier.arrive $0xFFFF  }
0x3e: {  	[sflag:s0] =	ssyncadd.tile.s32 @!p0 $0x1;
	_ =	shalt  }
.Lfunc_end2:
_tile_overlayer_lowered:
.L_overlay_start_2:
0x3f: {  	(tag) =	ssettag $0x2  }
0x40: {  	s0 =	rddreg [dreg:$0x0];
	s2 =	stileid.u32  }
0x41: {  	s1 =	rddreg [dreg:$0x1];
	p0 =	sne.s32 s2, $0x0  }
0x42: {  	s3 =	rddreg [dreg:$0x2];
	[bflag:$0x3] =	sbarrier.arrive $0xFFFF;
	s2 =	simm.s32 @!p0 $0x1C02  }
0x43: {  	[timem:s3], [sflag:s2] =	dma.local @!p0 [hbm:s0], s1  }
0x44: {  	s0 =	simm.s32 @!p0 $0x2  }
0x45: {  	_ =	swait.ge @!p0 [sflag:s0], s1  }
0x46: {  	s1 =	ssub.s32 @!p0 $0x0, s1;
	[sflag:s0] =	ssyncset.done @!p0 $0x0  }
0x47: {  	[sflag:s0] =	ssyncadd.s32 @!p0 s1  }
0x48: {  	[bflag:$0x3] =	sbarrier.arrive $0xFFFF  }
0x49: {  	_ =	shalt  }

// kernel: kernel.9.cloned.1.call-start
scs
__scs_entry_jumppad:
0x0: {  	(pc) =	sbr.rel $0x88, $3  }
0x1: {  	(tag) =	ssettag $0x0;
	lr =	simm.s32 $0x1  }
0x2: {  	[smem:$0x3F95] =	sst lr;
	_ =	strace $0xD0000000  }
0x3: {  	_ = 	snop  }
0x4: {  	_ = 	snop  }
0x5: {  	_ = 	snop  }
0x6: {  	_ = 	snop  }
0x7: {  	_ = 	snop  }
__scs_overlays_trampoline_lowered:
0x8: {  	[smem:$0x3FA4] =	sst s0  }
0x9: {  	[smem:$0x3FA5] =	sst s1  }
0xa: {  	[smem:$0x3FA6] =	sst s2  }
0xb: {  	[smem:$0x3FA7] =	sst s3  }
0xc: {  	[smem:$0x3FA8] =	sst s4  }
0xd: {  	[smem:$0x3FA9] =	sst s5  }
0xe: {  	[smem:$0x3FAA] =	sst s6  }
0xf: {  	[smem:$0x3FAB] =	sst s7  }
0x10: {  	[smem:$0x3FAC] =	sst s8  }
0x11: {  	[smem:$0x3FAD] =	sst s9;
	s0 =	simm.s32 @!p0 $0x0  }
0x12: {  	s1 =	sld [smem:$0x3F93];
	s0 =	simm.s32 @p0 $0x1  }
0x13: {  	[smem:$0x3FAE] =	sst s0;
	s0 =	simm.s32 @!p1 $0x0  }
0x14: {  	s2 =	sld [smem:$0x3F92];
	s0 =	simm.s32 @p1 $0x1  }
0x15: {  	[smem:$0x3FAF] =	sst s0;
	s0 =	simm.s32 @!p2 $0x0  }
0x16: {  	s3 =	sld [smem:$0x3FDB];
	s0 =	simm.s32 @p2 $0x1  }
0x17: {  	s4 =	simm.s32 $0x1BF5;
	[smem:$0x3FB1] =	sst s0  }
0x18: {  	s0 =	sld [smem:$0x3F94];
	_ =	swait.ge [sflag:s4], $0x0  }
0x19: {  	s7 =	sld [smem:$0x3F95]  }
0x1a: {  	s8 =	sadd.s32 $0xFFFFE003, lr  }
0x1b: {  	s9 =	sadd.s32 $0xFFFFFEF7, lr;
	s5 =	simm.s32 $0xFFFFFFFF;
	p2 =	slt.u32 s8, $0xFFFFF086  }
0x1c: {  	p1 =	slt.u32 s9, $0xF7A;
	s5 =	simm.s32 @!p2 $0x0  }
0x1d: {  	s5 =	simm.s32 @p1 $0x1;
	p0 =	seq.s32 s7, s2  }
0x1e: {  	s7 =	smul.u32 @!p0 $0xF7A, s2;
	p2 =	seq.s32 @!p0 s5, $0x0  }
0x1f: {  	s9 =	smul.u32 $0xF7A, s1;
	s8 =	simm.s32 @!p0 $0x1BF5;
	p2 =	por !p2, p0  }
0x20: {  	[sflag:s8] =	ssyncset.s32 @!p0 $0xFFFFF086;
	s6 =	sadd.s32 @!p0 s3, s7;
	s7 =	simm.s32 @!p0 $0x108  }
0x21: {  	s3 =	sadd.s32 s3, s9;
	s6 =	sadd.s32 @!p0 $0x88, s6;
	s7 =	simm.s32 @p2 $0x1082  }
0x22: {  	[simem:s7], [sflag:s8] =	dma.local @!p0 [hbm:s6], $0xF7A  }
0x23: {  	s9 =	sor.u32 $0xD0000000, s2;
	s6 =	simm.s32 $0x108;
	_ =	swait.ge @!p0 [sflag:s8], $0x0  }
0x24: {  	s3 =	sadd.s32 $0x88, s3;
	s6 =	simm.s32 @!p1 $0x1082;
	[sflag:s4] =	ssyncset.s32 $0xFFFFF086  }
0x25: {  	[simem:s6], [sflag:s4] =	dma.local [hbm:s3], $0xF7A  }
0x26: {  	[smem:$0x3F95] =	sst s1;
	(tag) =	ssettag s2;
	_ =	strace s9  }
0x27: {  	s1 =	sld [smem:$0x3FA5]  }
0x28: {  	s2 =	sld [smem:$0x3FA6]  }
0x29: {  	s4 =	sld [smem:$0x3FA8]  }
0x2a: {  	p0 =	seq.s32 s5, $0x0;
	s5 =	sld [smem:$0x3FA9]  }
0x2b: {  	s6 =	sld [smem:$0x3FAA]  }
0x2c: {  	s7 =	sld [smem:$0x3FAB]  }
0x2d: {  	s3 =	simm.s32 $0x108;
	s8 =	sld [smem:$0x3FAC]  }
0x2e: {  	s3 =	simm.s32 @!p0 $0x1082;
	s9 =	sld [smem:$0x3FAD]  }
0x2f: {  	lr =	sadd.s32 s0, s3;
	s0 =	sld [smem:$0x3FA4]  }
0x30: {  	s3 =	sld [smem:$0x3FA7]  }
0x31: {  	[smem:$0x3FB0] =	sst s10  }
0x32: {  	s10 =	sld [smem:$0x3FAE];
	_ =	sdelay $0x3  }
0x33: {  	p0 =	seq.s32 s10, $0x1;
	s10 =	sld [smem:$0x3FB0];
	_ =	sdelay $0x3  }
0x34: {  	[smem:$0x3FB0] =	sst s10  }
0x35: {  	s10 =	sld [smem:$0x3FAF];
	_ =	sdelay $0x3  }
0x36: {  	p1 =	seq.s32 s10, $0x1;
	s10 =	sld [smem:$0x3FB0];
	_ =	sdelay $0x3  }
0x37: {  	[smem:$0x3FB0] =	sst s10  }
0x38: {  	s10 =	sld [smem:$0x3FB1]  }
0x39: {  	_ = 	snop;
	(pc) =	sbr.ind lr, $3  }
0x3a: {  	_ = 	snop  }
0x3b: {  	_ = 	snop  }
0x3c: {  	p2 =	seq.s32 s10, $0x1;
	s10 =	sld [smem:$0x3FB0]  }
0x3d: {  	_ =	shalt  }
0x3e: {  	_ =	shalt  }
0x3f: {  	_ =	shalt  }
0x40: {  	_ =	shalt  }
0x41: {  	_ =	shalt  }
0x42: {  	_ =	shalt  }
0x43: {  	_ =	shalt  }
0x44: {  	_ =	shalt  }
0x45: {  	_ =	shalt  }
0x46: {  	_ =	shalt  }
0x47: {  	_ =	shalt  }
0x48: {  	_ =	shalt  }
0x49: {  	_ =	shalt  }
0x4a: {  	_ =	shalt  }
0x4b: {  	_ =	shalt  }
0x4c: {  	_ =	shalt  }
0x4d: {  	_ =	shalt  }
0x4e: {  	_ =	shalt  }
0x4f: {  	_ =	shalt  }
0x50: {  	_ =	shalt  }
0x51: {  	_ =	shalt  }
0x52: {  	_ =	shalt  }
0x53: {  	_ =	shalt  }
0x54: {  	_ =	shalt  }
0x55: {  	_ =	shalt  }
0x56: {  	_ =	shalt  }
0x57: {  	_ =	shalt  }
0x58: {  	_ =	shalt  }
0x59: {  	_ =	shalt  }
0x5a: {  	_ =	shalt  }
0x5b: {  	_ =	shalt  }
0x5c: {  	_ =	shalt  }
0x5d: {  	_ =	shalt  }
0x5e: {  	_ =	shalt  }
0x5f: {  	_ =	shalt  }
0x60: {  	_ =	shalt  }
0x61: {  	_ =	shalt  }
0x62: {  	_ =	shalt  }
0x63: {  	_ =	shalt  }
0x64: {  	_ =	shalt  }
0x65: {  	_ =	shalt  }
0x66: {  	_ =	shalt  }
0x67: {  	_ =	shalt  }
0x68: {  	_ =	shalt  }
0x69: {  	_ =	shalt  }
0x6a: {  	_ =	shalt  }
0x6b: {  	_ =	shalt  }
0x6c: {  	_ =	shalt  }
0x6d: {  	_ =	shalt  }
0x6e: {  	_ =	shalt  }
0x6f: {  	_ =	shalt  }
0x70: {  	_ =	shalt  }
0x71: {  	_ =	shalt  }
0x72: {  	_ =	shalt  }
0x73: {  	_ =	shalt  }
0x74: {  	_ =	shalt  }
0x75: {  	_ =	shalt  }
0x76: {  	_ =	shalt  }
0x77: {  	_ =	shalt  }
0x78: {  	_ =	shalt  }
0x79: {  	_ =	shalt  }
0x7a: {  	_ =	shalt  }
0x7b: {  	_ =	shalt  }
0x7c: {  	_ =	shalt  }
0x7d: {  	_ =	shalt  }
0x7e: {  	_ =	shalt  }
0x7f: {  	_ =	shalt  }
0x80: {  	_ =	shalt  }
0x81: {  	_ =	shalt  }
0x82: {  	_ =	shalt  }
0x83: {  	_ =	shalt  }
0x84: {  	_ =	shalt  }
0x85: {  	_ =	shalt  }
0x86: {  	_ =	shalt  }
0x87: {  	_ =	shalt  }
.Lfunc_end0:
.L_simem_size_0:
called_computation_lowered:
.L_overlay_start_0:
0x88: {  	s2 =	sld [smem:$0x3FD9]  }
0x89: {  	s3 =	sld [smem:$0x3FFE];
	_ =	sdelay $0x1  }
0x8a: {  	s1 =	srdreg.scid  }
0x8b: {  	s0 =	sand.u32 $0x1, s1  }
0x8c: {  	s15 =	sshll.u32 s0, $0xA;
	s2 =	sadd.s32 s3, s2  }
0x8d: {  	s2 =	sadd.s32 s2, s15  }
0x8e: {  	[smem:$0x3FBC] =	sst s2  }
0x8f: {  	_ = 	snop  }
0x90: {  	s2 =	sld [smem:$0x3FD0];
	_ =	sdelay $0x2  }
0x91: {  	s16 =	simm.s32 $0xA;
	s4 =	simm.s32 $0x10  }
0x92: {  	[smem:s4], [sflag:s16] =	dma.local [hbm:s2], $0x1  }
0x93: {  	_ =	swait.eq [sflag:s16], $0x1  }
0x94: {  	[sflag:s16] =	ssyncset.done $0x0  }
0x95: {  	s17 =	sld [smem:$0x11];
	[sflag:s16] =	ssyncadd.s32 $0xFFFFFFFF  }
0x96: {  	s18 =	sld [smem:$0x12];
	(tm) =	ssettm $0x1  }
0x97: {  	s19 =	sld [smem:$0x3FFB];
	_ =	sdelay $0x3  }
0x98: {  	_ =	strace s19  }
0x99: {  	s4 =	sld [smem:$0x3FFC];
	_ =	sdelay $0x3  }
0x9a: {  	_ =	strace s4  }
0x9b: {  	s4 =	sld [smem:$0x3FFD];
	_ =	sdelay $0x3  }
0x9c: {  	_ =	strace s4  }
0x9d: {  	_ =	strace $0x8FFFFFFF  }
0x9e: {  	s20 =	sld [smem:$0x3FDB];
	_ =	sdelay $0x1  }
0x9f: {  	s5 =	simm.s32 $_scs_section_size  }
0xa0: {  	s6 =	simm.s32 $_size__tile_overlayer_lowered;
	s7 =	simm.s32 $_tile_overlayer_lowered  }
0xa1: {  	s23 =	simm.s32 $0x1BFF;
	s22 =	sshll.u32 s7, $0x1;
	s4 =	sadd.s32 s5, s20  }
0xa2: {  	s8 =	simm.s32 $0x0;
	s21 =	sshll.u32 s6, $0x1;
	s6 =	sadd.s32 s22, s4  }
0xa3: {  	[timem:s8], [sflag:s23] =	dma.local [hbm:s6], s21  }
0xa4: {  	_ =	swait.ge [sflag:s23], s21  }
0xa5: {  	s5 =	ssub.s32 $0x0, s21;
	[sflag:s23] =	ssyncset.done $0x0  }
0xa6: {  	[sflag:s23] =	ssyncadd.s32 s5;
	_ =	sdelay $0x1  }
0xa7: {  	s24 =	simm.s32 $0x1B8B  }
0xa8: {  	_ =	swait.ge [sflag:s24], $0x1  }
0xa9: {  	[sflag:s24] =	ssyncset.done $0x0  }
0xaa: {  	s25 =	simm.s32 $0x1B8E;
	[sflag:s24] =	ssyncadd.s32 $0xFFFFFFFF  }
0xab: {  	s26 =	simm.s32 $execute0_lowered;
	[smem:$0x3FD2] =	sst s25  }
0xac: {  	s5 =	sshll.u32 s26, $0x1;
	_ =	strace $0x80000046;
	[dreg:$0x1] =	wrdreg $0xFFFFFFFF  }
0xad: {  	s28 =	simm.s32 $_size_execute0_lowered;
	s4 =	sadd.s32 s4, s5;
	[dreg:$0x0] =	wrdreg $0x0  }
0xae: {  	s5 =	sshll.u32 s28, $0x1;
	[dreg:$0x2] =	wrdreg s4  }
0xaf: {  	[dreg:$0x3] =	wrdreg s5  }
0xb0: {  	[dreg:$0x4] =	wrdreg $0xC0  }
0xb1: {  	_ =	task [dreg:s8], $0x5FFFF  }
0xb2: {  	[dreg:$0x1] =	wrdreg $0xFFFFFFFF  }
0xb3: {  	[dreg:$0x0] =	wrdreg $0x60  }
0xb4: {  	[dreg:$0x2] =	wrdreg s17  }
0xb5: {  	[dreg:$0x3] =	wrdreg s18  }
0xb6: {  	[dreg:$0x4] =	wrdreg $0x9  }
0xb7: {  	_ =	task.clear_ibuf [dreg:s8], $0x5FFFF;
	_ =	strace $0x90000046  }
0xb8: {  	s29 =	simm.s32 $0x9;
	_ =	strace $0x80000048  }
0xb9: {  	_ =	swait.ge [sflag:s29], $0x1  }
0xba: {  	[sflag:s29] =	ssyncadd.s32 $0xFFFFFFFF  }
0xbb: {  	_ =	strace $0x90000048  }
0xbc: {  	_ =	sfence  }
0xbd: {  	s30 =	sld [smem:$0x0];
	_ =	sdelay $0x2  }
0xbe: {  	s31 =	sshll.u32 s1, $0xD;
	s1 =	sshrl.u32 s1, $0x2  }
0xbf: {  	s3 =	sand.u32 $0x4000, s31;
	s1 =	sadd.s32 s1, s30  }
0xc0: {  	s0 =	sor.u32 s3, s0;
	s1 =	sshll.u32 s1, $0x11  }
0xc1: {  	s0 =	sor.u32 s1, s0  }
0xc2: {  	s0 =	sadd.s32 $0x8F2B, s0  }
0xc3: {  	[sflag:s0] =	ssyncadd.remote.s32 $0x1  }
0xc4: {  	_ =	sfence.sel $0xFFFF  }
0xc5: {  	[dreg:$0x0] =	wrdreg $0xFFFFFFFF;
	(pc) =	sbr.abs _section_cstart, $3  }
0xc6: {  	[dreg:$0x1] =	wrdreg $0xFFFFFFFF  }
0xc7: {  	_ =	task.clear_ibuf [dreg:s8], $0x2FFFF;
	_ =	strace $0x9FFFFFFF  }
0xc8: {  	(tm) =	ssettm $0x7FFFFFFF  }
0xc9: {  	_ =	shalt  }
tec
execute0_lowered:
.L_overlay_start_1:
0x0: {  	(tag) =	ssettag $0x1  }
0x1: {  	s3 =	rddreg [dreg:$0x0]  }
0x2: {  	s4 =	rddreg [dreg:$0x1]  }
0x3: {  	s0 =	rddreg [dreg:$0x2]  }
0x4: {  	s2 =	simm.s32 $0x0;
	s5 =	srdreg.scid;
	s1 =	stileid.u32  }
0x5: {  	[smem:$0x7FF] =	sst s2;
	s5 =	sand.u32 $0x1, s5;
	s6 =	sshrl.u32 s1, $0x2  }
0x6: {  	s7 =	sshll.u32 s1, $0x8;
	s9 =	sshrl.u32 s1, $0x3;
	s8 =	smul.u32 $0x28000, s5  }
0x7: {  	s28 =	sshll.u32 s1, $0x7;
	s10 =	sshll.u32 s5, $0x7;
	s9 =	smul.u32 $0x14000, s9  }
0x8: {  	s7 =	sand.u32 $0x300, s7;
	s6 =	smul.u32 $0x13C00, s6;
	_ =	strace $0x80000047  }
0x9: {  	s29 =	sand.u32 $0x380, s28;
	s5 =	ssub.s32 $0x2, s5;
	s7 =	sor.u32 s10, s7  }
0xa: {  	s31 =	sshrl.u32 s5, $0x1;
	s10 =	simm.s32 $0x0;
	s8 =	sadd.s32 s8, s9  }
0xb: {  	s6 =	sor.u32 s6, s7;
	s5 =	ssub.s32 s5, s31;
	s9 =	simm.s32 $0x2780  }
0xc: {  	s30 =	sor.u32 s29, s8;
	s6 =	sshrl.u32 s6, $0x3;
	s5 =	smax.u32 s5, $0x1  }
0xd: {  	s8 =	simm.s32 $0x1;
	s7 =	sshrl.u32 s30, $0x3;
	s3 =	sadd.s32 s3, s6  }
0xe: {  	v0 =	vimm.f32 $0.0e+00;
	v1 =	vimm.f32 $1.000000000e+00;
	s6 =	simm.s32 $0x80;
	s4 =	sadd.s32 s4, s7;
	s7 =	simm.s32 $0x400  }
.LBB2_1:
0xf: {  	[tilespmem:s2], [sflag:$0x1] =	stream.strided.gather [hbm4b:s3+s6], $0x2780, s7, s6, $0x38;
	[tilespmem:$0x4F80] =	vst v63  }
0x10: {  	_ =	swait.ge [sflag:s8], $0x2780  }
0x11: {  	[sflag:s8] =	ssyncset.done $0x0  }
0x12: {  	s11 =	simm.s32 $0x0;
	[sflag:s8] =	ssyncadd.s32 $0xFFFFD880  }
.LBB2_2:
0x13: {  	p0 =	sne.s32 s11, $0x9FC0  }
.Ltmp0:
0x14: {  	_ = 	snop;
	(pc) =	sbr.rel @p0 .LBB2_2-.Ltmp0, $3  }
0x15: {  	_ =	sdelay $0x1  }
0x16: {  	s12 =	sshra.s32 s11, $0x2  }
0x17: {  	s11 =	sadd.s32 $0x40, s11;
	[tilespmem:s12+$0x2780] =	vst v0  }
0x18: {  	s11 =	simm.s32 $0x1C0  }
.LBB2_4:
0x19: {  	s12 =	sshra.s32 s11, $0x2  }
0x1a: {  	v2 =	vld [tilespmem:s12+$0xFFFFFF90];
	_ =	sdelay $0x7  }
0x1b: {  	[tilespmem:v2+s9+$0x0] =	vst.idx.add.f32.msk $0xffff, v1  }
0x1c: {  	v2 =	vld [tilespmem:s12+$0xFFFFFFA0];
	_ =	sdelay $0x7  }
0x1d: {  	[tilespmem:v2+s9+$0x0] =	vst.idx.add.f32.msk $0xffff, v1  }
0x1e: {  	v2 =	vld [tilespmem:s12+$0xFFFFFFB0];
	_ =	sdelay $0x7  }
0x1f: {  	[tilespmem:v2+s9+$0x0] =	vst.idx.add.f32.msk $0xffff, v1  }
0x20: {  	v2 =	vld [tilespmem:s12+$0xFFFFFFC0];
	_ =	sdelay $0x7  }
0x21: {  	[tilespmem:v2+s9+$0x0] =	vst.idx.add.f32.msk $0xffff, v1  }
0x22: {  	v2 =	vld [tilespmem:s12+$0xFFFFFFD0];
	_ =	sdelay $0x7  }
0x23: {  	[tilespmem:v2+s9+$0x0] =	vst.idx.add.f32.msk $0xffff, v1  }
0x24: {  	v2 =	vld [tilespmem:s12+$0xFFFFFFE0];
	_ =	sdelay $0x7  }
0x25: {  	[tilespmem:v2+s9+$0x0] =	vst.idx.add.f32.msk $0xffff, v1  }
0x26: {  	v2 =	vld [tilespmem:s12+$0xFFFFFFF0];
	_ =	sdelay $0x7  }
0x27: {  	[tilespmem:v2+s9+$0x0] =	vst.idx.add.f32.msk $0xffff, v1  }
0x28: {  	v2 =	vld [tilespmem:s12+$0x0];
	_ =	sdelay $0x2  }
0x29: {  	p0 =	sne.s32 s11, $0x9DC0  }
.Ltmp1:
0x2a: {  	_ = 	snop;
	(pc) =	sbr.rel @p0 .LBB2_4-.Ltmp1, $2  }
0x2b: {  	_ =	sdelay $0x2  }
0x2c: {  	s11 =	sadd.s32 $0x200, s11;
	[tilespmem:v2+s9+$0x0] =	vst.idx.add.f32.msk $0xffff, v1  }
0x2d: {  	s10 =	sadd.s32 $0x1, s10  }
0x2e: {  	p0 =	sne.s32 s10, s5  }
.Ltmp2:
0x2f: {  	_ = 	snop;
	(pc) =	sbr.rel @p0 .LBB2_1-.Ltmp2, $4  }
0x30: {  	[hbm4b:s4+s6] =	stream.strided.scatter [tilespmem:s9], [sflag:$0x1], $0x2800, s7, s6, $0x38;
	[tilespmem:$0x4F80] =	vst v63  }
0x31: {  	_ =	swait.ge [sflag:s8], $0x2800  }
0x32: {  	[sflag:s8] =	ssyncset.done $0x0  }
0x33: {  	[sflag:s8] =	ssyncadd.s32 $0xFFFFD800  }
0x34: {  	_ =	sfence.sel $0x180000  }
0x35: {  	[bflag:$0x0] =	sbarrier.arrive $0xFFFF  }
0x36: {  	p0 =	sne.s32 s1, $0x0;
	_ =	strace $0x90000047  }
0x37: {  	s0 =	sadd.s32 @!p0 $0x100000, s0;
	[bflag:$0x2] =	sbarrier.arrive $0xFFFF  }
0x38: {  	[sflag:s0] =	ssyncadd.tile.s32 @!p0 $0x1;
	_ =	shalt  }
.Lfunc_end2:
_tile_overlayer_lowered:
.L_overlay_start_2:
0x39: {  	(tag) =	ssettag $0x2  }
0x3a: {  	s0 =	rddreg [dreg:$0x0];
	s2 =	stileid.u32  }
0x3b: {  	s1 =	rddreg [dreg:$0x1];
	p0 =	sne.s32 s2, $0x0  }
0x3c: {  	s3 =	rddreg [dreg:$0x2];
	[bflag:$0x3] =	sbarrier.arrive $0xFFFF;
	s2 =	simm.s32 @!p0 $0x1C01  }
0x3d: {  	[timem:s3], [sflag:s2] =	dma.local @!p0 [hbm:s0], s1  }
0x3e: {  	s0 =	simm.s32 @!p0 $0x1  }
0x3f: {  	_ =	swait.ge @!p0 [sflag:s0], s1  }
0x40: {  	s1 =	ssub.s32 @!p0 $0x0, s1;
	[sflag:s0] =	ssyncset.done @!p0 $0x0  }
0x41: {  	[sflag:s0] =	ssyncadd.s32 @!p0 s1  }
0x42: {  	[bflag:$0x3] =	sbarrier.arrive $0xFFFF  }
0x43: {  	_ =	shalt  }

</sc_bundles>
